<compile_context>
chip_gen: v7x
topology: tpu7x:2x2x1
jax: 0.10.2.dev20260603
libtpu: 0.0.44.dev20260713+nightly
codegen_flags: <defaults>
</compile_context>

<pallas_src>
import functools
import jax
import jax.numpy as jnp
from jax import lax
from jax.experimental import pallas as pl
from jax.experimental.pallas import tpu as pltpu
from jax.experimental.pallas import tpu_sc as plsc

_NC = 2
_NS = 16
_CHUNK = 128


def _sc_gather_segment_sum(features, src2d, tgt2d, Vp, C, cpt):
    NW = _NC * _NS
    rows_per_tile = Vp // _NS

    mesh = plsc.VectorSubcoreMesh(core_axis_name="c", subcore_axis_name="s")

    @functools.partial(
        pl.kernel,
        mesh=mesh,
        out_type=[
            jax.ShapeDtypeStruct((_NC, Vp, C), jnp.float32),
            jax.ShapeDtypeStruct((NW, Vp), jnp.float32),
        ],
        scratch_types=[
            pltpu.VMEM((_CHUNK,), jnp.int32),
            pltpu.VMEM((_CHUNK,), jnp.int32),
            pltpu.VMEM((_CHUNK,), jnp.int32),
            pltpu.VMEM((_CHUNK,), jnp.int32),
            pltpu.VMEM((_CHUNK, C), jnp.float32),
            pltpu.VMEM((_CHUNK, C), jnp.float32),
            pltpu.VMEM((Vp,), jnp.float32),
            pltpu.VMEM_SHARED((Vp, C), jnp.float32),
            pltpu.SemaphoreType.DMA,
            pltpu.SemaphoreType.DMA,
            pltpu.SemaphoreType.DMA,
        ],
        compiler_params=pltpu.CompilerParams(needs_layout_passes=False),
    )
    def k(feat_hbm, src_hbm, tgt_hbm, out_hbm, cnt_hbm,
          idx_s0, idx_t0, idx_s1, idx_t1, buf0, buf1, cnt_v, acc_sh,
          sem0, semi0, semi1):
        c = lax.axis_index("c")
        s = lax.axis_index("s")
        wid = s * _NC + c
        z16 = jnp.zeros((16,), jnp.float32)
        ones16 = jnp.ones((16,), jnp.float32)
        row0 = wid * cpt

        def zc(i, carry):
            cnt_v[pl.ds(i * 16, 16)] = z16
            return carry

        lax.fori_loop(0, Vp // 16, zc, 0)

        def zr(i, carry):
            for q in range(C // 16):
                buf0[i, pl.ds(q * 16, 16)] = z16
            return carry

        lax.fori_loop(0, _CHUNK, zr, 0)

        base = s * rows_per_tile
        nfull, rem = divmod(rows_per_tile, _CHUNK)
        for q in range(nfull):
            pltpu.sync_copy(buf0.at[:],
                            acc_sh.at[pl.ds(base + q * _CHUNK, _CHUNK)])
        if rem:
            pltpu.sync_copy(buf0.at[pl.ds(0, rem)],
                            acc_sh.at[pl.ds(base + nfull * _CHUNK, rem)])
        plsc.subcore_barrier()

        def prefetch(r, idx_s, idx_t, semi):
            pltpu.async_copy(src_hbm.at[r], idx_s, semi)
            pltpu.async_copy(tgt_hbm.at[r], idx_t, semi)

        def drain(idx_s, idx_t, semi):
            pltpu.make_async_copy(src_hbm.at[0], idx_s, semi).wait()
            pltpu.make_async_copy(tgt_hbm.at[0], idx_t, semi).wait()

        def scatter_side(j, buf, pair):
            idx_s, idx_t, semi = pair
            pltpu.sync_copy(buf, acc_sh.at[idx_t], add=True)
            for q in range(_CHUNK // 16):
                plsc.addupdate_scatter(
                    cnt_v, [idx_t[pl.ds(q * 16, 16)]], ones16)

            @pl.when(j + 2 < cpt)
            def _():
                prefetch(row0 + j + 2, idx_s, idx_t, semi)

        prefetch(row0, idx_s0, idx_t0, semi0)
        prefetch(row0 + 1, idx_s1, idx_t1, semi1)

        def body(i, carry):
            j0 = 2 * i
            j1 = 2 * i + 1
            drain(idx_s0, idx_t0, semi0)
            pltpu.async_copy(feat_hbm.at[idx_s0], buf0, sem0).wait()
            drain(idx_s1, idx_t1, semi1)
            h1 = pltpu.async_copy(feat_hbm.at[idx_s1], buf1, sem0)
            scatter_side(j0, buf0, (idx_s0, idx_t0, semi0))
            h1.wait()
            scatter_side(j1, buf1, (idx_s1, idx_t1, semi1))
            return carry

        lax.fori_loop(0, cpt // 2, body, 0)
        if cpt % 2 == 1:
            drain(idx_s0, idx_t0, semi0)
            pltpu.async_copy(feat_hbm.at[idx_s0], buf0, sem0).wait()
            scatter_side(cpt - 1, buf0, (idx_s0, idx_t0, semi0))

        plsc.subcore_barrier()
        tile_rows = pl.ds(base, rows_per_tile)
        pltpu.sync_copy(acc_sh.at[tile_rows], out_hbm.at[c, tile_rows])
        pltpu.sync_copy(cnt_v, cnt_hbm.at[wid])

    return k(features, src2d, tgt2d)


def _tc_combine(features, parts0, parts1, cnts_t, a_t, w2_t, b2d, V, C, OUT):
    R = 400
    assert V % R == 0
    NW = _NC * _NS

    def body(f_ref, p0_ref, p1_ref, c_ref, at_ref, w2t_ref, b_ref, o_ref):
        ssum = p0_ref[...] + p1_ref[...]
        cnt = jnp.sum(c_ref[...], axis=1, keepdims=True)
        y = jnp.dot(f_ref[...], at_ref[...], preferred_element_type=jnp.float32)
        z = jnp.dot(ssum, w2t_ref[...], preferred_element_type=jnp.float32)
        denom = jnp.maximum(cnt, 1.0)
        o_ref[...] = jnp.where(cnt > 0.0, y + z / denom + b_ref[...], 0.0)

    return pl.pallas_call(
        body,
        grid=(V // R,),
        in_specs=[
            pl.BlockSpec((R, C), lambda i: (i, 0)),
            pl.BlockSpec((R, C), lambda i: (i, 0)),
            pl.BlockSpec((R, C), lambda i: (i, 0)),
            pl.BlockSpec((R, NW), lambda i: (i, 0)),
            pl.BlockSpec((C, OUT), lambda i: (0, 0)),
            pl.BlockSpec((C, OUT), lambda i: (0, 0)),
            pl.BlockSpec((1, OUT), lambda i: (0, 0)),
        ],
        out_specs=pl.BlockSpec((R, OUT), lambda i: (i, 0)),
        out_shape=jax.ShapeDtypeStruct((V, OUT), jnp.float32),
    )(features, parts0, parts1, cnts_t, a_t, w2_t, b2d)


def kernel(features, edge_index, W, b):
    V, C = features.shape
    E = edge_index.shape[1]
    OUT = W.shape[0]
    NW = _NC * _NS

    Vp = -(-(V + 1) // (_NS * 8)) * (_NS * 8)
    cpt = -(-E // (NW * _CHUNK))
    Epad = NW * cpt * _CHUNK

    src = edge_index[0]
    tgt = edge_index[1]
    if Epad > E:
        src = jnp.concatenate([src, jnp.zeros((Epad - E,), jnp.int32)])
        tgt = jnp.concatenate([tgt, jnp.full((Epad - E,), V, jnp.int32)])
    src2d = src.reshape(NW * cpt, _CHUNK)
    tgt2d = tgt.reshape(NW * cpt, _CHUNK)

    parts, cnts = _sc_gather_segment_sum(features, src2d, tgt2d, Vp, C, cpt)

    a_t = (W[:, :C] - W[:, C:]).T
    w2_t = W[:, C:].T
    b2d = b.reshape(1, OUT)
    return _tc_combine(features, parts[0], parts[1], cnts.T, a_t, w2_t, b2d,
                       V, C, OUT)

# --- scband reference (transcript-rebuilt; emitter-appended) ---
"""Pipeline reference for scband-edge-conv-17609365914509 (READ-ONLY COPY).

The authoritative reference and input builder live on the scoring server;
editing this copy changes nothing except your own understanding.
"""

import jax, jax.numpy as jnp
import numpy as np

V = 10000
E = 320000
C = 128
OUT = 128


def setup_inputs(seed: int = 0) -> dict:
    key = jax.random.key(seed)
    k1, k2, k3, k4 = jax.random.split(key, 4)
    features = jax.random.normal(k1, (V, C), dtype=jnp.float32)
    edge_index = jax.random.randint(k2, (2, E), 0, V, dtype=jnp.int32)
    # Conv1d with kernel_size=1 over (2*C) input channels is a linear layer.
    # torch weight shape is (OUT, 2*C, 1); we store it as (OUT, 2*C).
    W = jax.random.normal(k3, (OUT, 2 * C), dtype=jnp.float32) * (1.0 / np.sqrt(2 * C))
    b = jax.random.normal(k4, (OUT,), dtype=jnp.float32) * 0.01
    return {"features": features, "edge_index": edge_index, "W": W, "b": b}


def reference(features, edge_index, W, b):
    src = edge_index[0]
    tgt = edge_index[1]
    # gather neighbor and local vertex features per edge
    neighbors = jnp.take(features, src, axis=0)
    local = jnp.take(features, tgt, axis=0)
    x = jnp.concatenate([local, neighbors - local], axis=-1)  # [E, 2C]
    # pointwise conv1d (kernel_size=1) == linear
    y = x @ W.T + b  # [E, OUT]
    # scatter_reduce(reduce='mean', include_self=False): mean over incoming edges,
    # vertices with no edges stay at zero
    sums = jax.ops.segment_sum(y, tgt, num_segments=V)
    counts = jax.ops.segment_sum(jnp.ones((E,), dtype=y.dtype), tgt, num_segments=V)
    denom = jnp.maximum(counts, 1.0)[:, None]
    reduced = sums / denom
    return reduced

if __name__ == "__main__":
    import jax
    _d = setup_inputs()
    print(jax.jit(kernel)(*tuple(_d.values())))

</pallas_src>

<mosaic_0001>
#map = affine_map<(d0, d1) -> (0, 0)>
#map1 = affine_map<(d0, d1) -> (0, 0, 0)>
module attributes {stable_mosaic.version = 14 : i64} {
  func.func @k(%arg0: i32, %arg1: i32, %arg2: memref<10000x128xf32, #tpu.memory_space<hbm>>, %arg3: memref<2528x128xi32, #tpu.memory_space<hbm>>, %arg4: memref<2528x128xi32, #tpu.memory_space<hbm>>, %arg5: memref<2x10112x128xf32, #tpu.memory_space<hbm>>, %arg6: memref<32x10112xf32, #tpu.memory_space<hbm>>, %arg7: memref<128xi32, #tpu.memory_space<vmem>>, %arg8: memref<128xi32, #tpu.memory_space<vmem>>, %arg9: memref<128xi32, #tpu.memory_space<vmem>>, %arg10: memref<128xi32, #tpu.memory_space<vmem>>, %arg11: memref<128x128xf32, #tpu.memory_space<vmem>>, %arg12: memref<128x128xf32, #tpu.memory_space<vmem>>, %arg13: memref<10112xf32, #tpu.memory_space<vmem>>, %arg14: memref<10112x128xf32, #tpu.memory_space<vmem_shared>>, %arg15: memref<!tpu.dma_semaphore, #tpu.memory_space<semaphore_mem>>, %arg16: memref<!tpu.dma_semaphore, #tpu.memory_space<semaphore_mem>>, %arg17: memref<!tpu.dma_semaphore, #tpu.memory_space<semaphore_mem>>) attributes {dimension_semantics = [#tpu.dimension_semantics<core_parallel>, #tpu.dimension_semantics<subcore_parallel>], iteration_bounds = array<i64: 2, 16>, scalar_prefetch = 0 : i64, scratch_operands = 11 : i64, tpu.core_type = #tpu.core_type<sc_vector_subcore>, window_params = [{transform_indices = #map}, {transform_indices = #map}, {transform_indices = #map}, {transform_indices = #map1}, {transform_indices = #map}]} {
    %mul3A = arith.constant 2 : i32
    %mul3A_0 = arith.muli %arg1, %mul3A : i32
    %add3A = arith.addi %mul3A_0, %arg0 : i32
    %broadcast_in_dim3A = arith.constant 0.000000e+00 : f32
    %broadcast_in_dim3A_1 = vector.broadcast %broadcast_in_dim3A : f32 to vector<16xf32>
    %broadcast_in_dim3A_2 = arith.constant 1.000000e+00 : f32
    %broadcast_in_dim3A_3 = vector.broadcast %broadcast_in_dim3A_2 : f32 to vector<16xf32>
    %mul3A_4 = arith.constant 79 : i32
    %mul3A_5 = arith.muli %add3A, %mul3A_4 : i32
    %scan3A = arith.constant 0 : i32
    %scan3A_6 = arith.constant 0 : i32
    %scan3A_7 = arith.constant 632 : i32
    %scan3A_8 = arith.addi %scan3A_6, %scan3A_7 : i32
    %scan3A_9 = arith.constant 1 : i32
    scf.for %scan3A_95 = %scan3A_6 to %scan3A_8 step %scan3A_9  : i32 {
      %mul3A_96 = arith.constant 16 : i32
      %mul3A_97 = arith.muli %scan3A_95, %mul3A_96 : i32
      %swap3A = arith.index_cast %mul3A_97 : i32 to index
      %swap3A_98 = tpu.vector_load %arg13[%swap3A] {strides = array<i32>} : memref<10112xf32, #tpu.memory_space<vmem>>, vector<16xf32>,
      tpu.vector_store %arg13[%swap3A], %broadcast_in_dim3A_1 {strides = array<i32>} : memref<10112xf32, #tpu.memory_space<vmem>>, vector<16xf32>,
    }
    %scan3A_10 = arith.constant 632 : i32
    %scan3A_11 = arith.constant 0 : i32
    %scan3A_12 = arith.constant 0 : i32
    %scan3A_13 = arith.constant 128 : i32
    %scan3A_14 = arith.addi %scan3A_12, %scan3A_13 : i32
    %scan3A_15 = arith.constant 1 : i32
    scf.for %scan3A_95 = %scan3A_12 to %scan3A_14 step %scan3A_15  : i32 {
      %swap3A = arith.index_cast %scan3A_95 : i32 to index
      %swap3A_96 = arith.constant 0 : index
      %swap3A_97 = tpu.vector_load %arg11[%swap3A, %swap3A_96] {strides = array<i32>} : memref<128x128xf32, #tpu.memory_space<vmem>>, vector<16xf32>,
      tpu.vector_store %arg11[%swap3A, %swap3A_96], %broadcast_in_dim3A_1 {strides = array<i32>} : memref<128x128xf32, #tpu.memory_space<vmem>>, vector<16xf32>,
      %swap3A_98 = arith.index_cast %scan3A_95 : i32 to index
      %swap3A_99 = arith.constant 16 : index
      %swap3A_100 = tpu.vector_load %arg11[%swap3A_98, %swap3A_99] {strides = array<i32>} : memref<128x128xf32, #tpu.memory_space<vmem>>, vector<16xf32>,
      tpu.vector_store %arg11[%swap3A_98, %swap3A_99], %broadcast_in_dim3A_1 {strides = array<i32>} : memref<128x128xf32, #tpu.memory_space<vmem>>, vector<16xf32>,
      %swap3A_101 = arith.index_cast %scan3A_95 : i32 to index
      %swap3A_102 = arith.constant 32 : index
      %swap3A_103 = tpu.vector_load %arg11[%swap3A_101, %swap3A_102] {strides = array<i32>} : memref<128x128xf32, #tpu.memory_space<vmem>>, vector<16xf32>,
      tpu.vector_store %arg11[%swap3A_101, %swap3A_102], %broadcast_in_dim3A_1 {strides = array<i32>} : memref<128x128xf32, #tpu.memory_space<vmem>>, vector<16xf32>,
      %swap3A_104 = arith.index_cast %scan3A_95 : i32 to index
      %swap3A_105 = arith.constant 48 : index
      %swap3A_106 = tpu.vector_load %arg11[%swap3A_104, %swap3A_105] {strides = array<i32>} : memref<128x128xf32, #tpu.memory_space<vmem>>, vector<16xf32>,
      tpu.vector_store %arg11[%swap3A_104, %swap3A_105], %broadcast_in_dim3A_1 {strides = array<i32>} : memref<128x128xf32, #tpu.memory_space<vmem>>, vector<16xf32>,
      %swap3A_107 = arith.index_cast %scan3A_95 : i32 to index
      %swap3A_108 = arith.constant 64 : index
      %swap3A_109 = tpu.vector_load %arg11[%swap3A_107, %swap3A_108] {strides = array<i32>} : memref<128x128xf32, #tpu.memory_space<vmem>>, vector<16xf32>,
      tpu.vector_store %arg11[%swap3A_107, %swap3A_108], %broadcast_in_dim3A_1 {strides = array<i32>} : memref<128x128xf32, #tpu.memory_space<vmem>>, vector<16xf32>,
      %swap3A_110 = arith.index_cast %scan3A_95 : i32 to index
      %swap3A_111 = arith.constant 80 : index
      %swap3A_112 = tpu.vector_load %arg11[%swap3A_110, %swap3A_111] {strides = array<i32>} : memref<128x128xf32, #tpu.memory_space<vmem>>, vector<16xf32>,
      tpu.vector_store %arg11[%swap3A_110, %swap3A_111], %broadcast_in_dim3A_1 {strides = array<i32>} : memref<128x128xf32, #tpu.memory_space<vmem>>, vector<16xf32>,
      %swap3A_113 = arith.index_cast %scan3A_95 : i32 to index
      %swap3A_114 = arith.constant 96 : index
      %swap3A_115 = tpu.vector_load %arg11[%swap3A_113, %swap3A_114] {strides = array<i32>} : memref<128x128xf32, #tpu.memory_space<vmem>>, vector<16xf32>,
      tpu.vector_store %arg11[%swap3A_113, %swap3A_114], %broadcast_in_dim3A_1 {strides = array<i32>} : memref<128x128xf32, #tpu.memory_space<vmem>>, vector<16xf32>,
      %swap3A_116 = arith.index_cast %scan3A_95 : i32 to index
      %swap3A_117 = arith.constant 112 : index
      %swap3A_118 = tpu.vector_load %arg11[%swap3A_116, %swap3A_117] {strides = array<i32>} : memref<128x128xf32, #tpu.memory_space<vmem>>, vector<16xf32>,
      tpu.vector_store %arg11[%swap3A_116, %swap3A_117], %broadcast_in_dim3A_1 {strides = array<i32>} : memref<128x128xf32, #tpu.memory_space<vmem>>, vector<16xf32>,
    }
    %scan3A_16 = arith.constant 128 : i32
    %mul3A_17 = arith.constant 632 : i32
    %mul3A_18 = arith.muli %arg1, %mul3A_17 : i32
    %add3A_19 = arith.constant 0 : i32
    %add3A_20 = arith.addi %mul3A_18, %add3A_19 : i32
    "tpu.region"() ({
      %run_scoped3A = tpu.sem_alloc : memref<!tpu.dma_semaphore, #tpu.memory_space<semaphore_mem>>
      %dma_start3A_95 = arith.constant 0 : i32
      %dma_start3A_96 = arith.constant 0 : i32
      %dma_start3A_97 = tpu.memref_slice %arg11[%dma_start3A_95, %dma_start3A_96] : memref<128x128xf32, #tpu.memory_space<vmem>> -> memref<128x128xf32, #tpu.memory_space<vmem>>
      %dma_start3A_98 = arith.constant 0 : i32
      %dma_start3A_99 = tpu.memref_slice %arg14[%add3A_20, %dma_start3A_98] : memref<10112x128xf32, #tpu.memory_space<vmem_shared>> -> memref<128x128xf32, #tpu.memory_space<vmem_shared>>
      %dma_start3A_100 = arith.constant 0 : i32
      %dma_start3A_101 = tpu.memref_slice %arg14[%add3A_20, %dma_start3A_100] : memref<10112x128xf32, #tpu.memory_space<vmem_shared>> -> memref<128x128xf32, #tpu.memory_space<vmem_shared>>
      %dma_start3A_102 = arith.constant 0 : i32
      %dma_start3A_103 = arith.constant 0 : i32
      %dma_start3A_104 = tpu.memref_slice %arg11[%dma_start3A_102, %dma_start3A_103] : memref<128x128xf32, #tpu.memory_space<vmem>> -> memref<128x128xf32, #tpu.memory_space<vmem>>
      tpu.enqueue_dma source(%dma_start3A_104 : memref<128x128xf32, #tpu.memory_space<vmem>>) target(%dma_start3A_101 : memref<128x128xf32, #tpu.memory_space<vmem_shared>>) target_semaphore(%run_scoped3A : memref<!tpu.dma_semaphore, #tpu.memory_space<semaphore_mem>>)
      %dma_wait3A_105 = arith.constant 0 : i32
      %dma_wait3A_106 = arith.constant 0 : i32
      %dma_wait3A_107 = tpu.memref_slice %arg11[%dma_wait3A_105, %dma_wait3A_106] : memref<128x128xf32, #tpu.memory_space<vmem>> -> memref<128x128xf32, #tpu.memory_space<vmem>>
      %dma_wait3A_108 = arith.constant 0 : i32
      %dma_wait3A_109 = tpu.memref_slice %arg14[%add3A_20, %dma_wait3A_108] : memref<10112x128xf32, #tpu.memory_space<vmem_shared>> -> memref<128x128xf32, #tpu.memory_space<vmem_shared>>
      %dma_wait3A_110 = arith.constant 0 : i32
      %dma_wait3A_111 = tpu.memref_slice %arg14[%add3A_20, %dma_wait3A_110] : memref<10112x128xf32, #tpu.memory_space<vmem_shared>> -> memref<128x128xf32, #tpu.memory_space<vmem_shared>>
      %dma_wait3A_112 = arith.constant 0 : i32
      %dma_wait3A_113 = arith.constant 0 : i32
      %dma_wait3A_114 = tpu.memref_slice %arg11[%dma_wait3A_112, %dma_wait3A_113] : memref<128x128xf32, #tpu.memory_space<vmem>> -> memref<128x128xf32, #tpu.memory_space<vmem>>
      tpu.wait_dma2 semaphore(%run_scoped3A : memref<!tpu.dma_semaphore, #tpu.memory_space<semaphore_mem>>) src(%dma_wait3A_114 : memref<128x128xf32, #tpu.memory_space<vmem>>) dst(%dma_wait3A_111 : memref<128x128xf32, #tpu.memory_space<vmem_shared>>)
      tpu.yield
    }) : () -> ()
    %add3A_21 = arith.constant 128 : i32
    %add3A_22 = arith.addi %mul3A_18, %add3A_21 : i32
    "tpu.region"() ({
      %run_scoped3A = tpu.sem_alloc : memref<!tpu.dma_semaphore, #tpu.memory_space<semaphore_mem>>
      %dma_start3A_95 = arith.constant 0 : i32
      %dma_start3A_96 = arith.constant 0 : i32
      %dma_start3A_97 = tpu.memref_slice %arg11[%dma_start3A_95, %dma_start3A_96] : memref<128x128xf32, #tpu.memory_space<vmem>> -> memref<128x128xf32, #tpu.memory_space<vmem>>
      %dma_start3A_98 = arith.constant 0 : i32
      %dma_start3A_99 = tpu.memref_slice %arg14[%add3A_22, %dma_start3A_98] : memref<10112x128xf32, #tpu.memory_space<vmem_shared>> -> memref<128x128xf32, #tpu.memory_space<vmem_shared>>
      %dma_start3A_100 = arith.constant 0 : i32
      %dma_start3A_101 = tpu.memref_slice %arg14[%add3A_22, %dma_start3A_100] : memref<10112x128xf32, #tpu.memory_space<vmem_shared>> -> memref<128x128xf32, #tpu.memory_space<vmem_shared>>
      %dma_start3A_102 = arith.constant 0 : i32
      %dma_start3A_103 = arith.constant 0 : i32
      %dma_start3A_104 = tpu.memref_slice %arg11[%dma_start3A_102, %dma_start3A_103] : memref<128x128xf32, #tpu.memory_space<vmem>> -> memref<128x128xf32, #tpu.memory_space<vmem>>
      tpu.enqueue_dma source(%dma_start3A_104 : memref<128x128xf32, #tpu.memory_space<vmem>>) target(%dma_start3A_101 : memref<128x128xf32, #tpu.memory_space<vmem_shared>>) target_semaphore(%run_scoped3A : memref<!tpu.dma_semaphore, #tpu.memory_space<semaphore_mem>>)
      %dma_wait3A_105 = arith.constant 0 : i32
      %dma_wait3A_106 = arith.constant 0 : i32
      %dma_wait3A_107 = tpu.memref_slice %arg11[%dma_wait3A_105, %dma_wait3A_106] : memref<128x128xf32, #tpu.memory_space<vmem>> -> memref<128x128xf32, #tpu.memory_space<vmem>>
      %dma_wait3A_108 = arith.constant 0 : i32
      %dma_wait3A_109 = tpu.memref_slice %arg14[%add3A_22, %dma_wait3A_108] : memref<10112x128xf32, #tpu.memory_space<vmem_shared>> -> memref<128x128xf32, #tpu.memory_space<vmem_shared>>
      %dma_wait3A_110 = arith.constant 0 : i32
      %dma_wait3A_111 = tpu.memref_slice %arg14[%add3A_22, %dma_wait3A_110] : memref<10112x128xf32, #tpu.memory_space<vmem_shared>> -> memref<128x128xf32, #tpu.memory_space<vmem_shared>>
      %dma_wait3A_112 = arith.constant 0 : i32
      %dma_wait3A_113 = arith.constant 0 : i32
      %dma_wait3A_114 = tpu.memref_slice %arg11[%dma_wait3A_112, %dma_wait3A_113] : memref<128x128xf32, #tpu.memory_space<vmem>> -> memref<128x128xf32, #tpu.memory_space<vmem>>
      tpu.wait_dma2 semaphore(%run_scoped3A : memref<!tpu.dma_semaphore, #tpu.memory_space<semaphore_mem>>) src(%dma_wait3A_114 : memref<128x128xf32, #tpu.memory_space<vmem>>) dst(%dma_wait3A_111 : memref<128x128xf32, #tpu.memory_space<vmem_shared>>)
      tpu.yield
    }) : () -> ()
    %add3A_23 = arith.constant 256 : i32
    %add3A_24 = arith.addi %mul3A_18, %add3A_23 : i32
    "tpu.region"() ({
      %run_scoped3A = tpu.sem_alloc : memref<!tpu.dma_semaphore, #tpu.memory_space<semaphore_mem>>
      %dma_start3A_95 = arith.constant 0 : i32
      %dma_start3A_96 = arith.constant 0 : i32
      %dma_start3A_97 = tpu.memref_slice %arg11[%dma_start3A_95, %dma_start3A_96] : memref<128x128xf32, #tpu.memory_space<vmem>> -> memref<128x128xf32, #tpu.memory_space<vmem>>
      %dma_start3A_98 = arith.constant 0 : i32
      %dma_start3A_99 = tpu.memref_slice %arg14[%add3A_24, %dma_start3A_98] : memref<10112x128xf32, #tpu.memory_space<vmem_shared>> -> memref<128x128xf32, #tpu.memory_space<vmem_shared>>
      %dma_start3A_100 = arith.constant 0 : i32
      %dma_start3A_101 = tpu.memref_slice %arg14[%add3A_24, %dma_start3A_100] : memref<10112x128xf32, #tpu.memory_space<vmem_shared>> -> memref<128x128xf32, #tpu.memory_space<vmem_shared>>
      %dma_start3A_102 = arith.constant 0 : i32
      %dma_start3A_103 = arith.constant 0 : i32
      %dma_start3A_104 = tpu.memref_slice %arg11[%dma_start3A_102, %dma_start3A_103] : memref<128x128xf32, #tpu.memory_space<vmem>> -> memref<128x128xf32, #tpu.memory_space<vmem>>
      tpu.enqueue_dma source(%dma_start3A_104 : memref<128x128xf32, #tpu.memory_space<vmem>>) target(%dma_start3A_101 : memref<128x128xf32, #tpu.memory_space<vmem_shared>>) target_semaphore(%run_scoped3A : memref<!tpu.dma_semaphore, #tpu.memory_space<semaphore_mem>>)
      %dma_wait3A_105 = arith.constant 0 : i32
      %dma_wait3A_106 = arith.constant 0 : i32
      %dma_wait3A_107 = tpu.memref_slice %arg11[%dma_wait3A_105, %dma_wait3A_106] : memref<128x128xf32, #tpu.memory_space<vmem>> -> memref<128x128xf32, #tpu.memory_space<vmem>>
      %dma_wait3A_108 = arith.constant 0 : i32
      %dma_wait3A_109 = tpu.memref_slice %arg14[%add3A_24, %dma_wait3A_108] : memref<10112x128xf32, #tpu.memory_space<vmem_shared>> -> memref<128x128xf32, #tpu.memory_space<vmem_shared>>
      %dma_wait3A_110 = arith.constant 0 : i32
      %dma_wait3A_111 = tpu.memref_slice %arg14[%add3A_24, %dma_wait3A_110] : memref<10112x128xf32, #tpu.memory_space<vmem_shared>> -> memref<128x128xf32, #tpu.memory_space<vmem_shared>>
      %dma_wait3A_112 = arith.constant 0 : i32
      %dma_wait3A_113 = arith.constant 0 : i32
      %dma_wait3A_114 = tpu.memref_slice %arg11[%dma_wait3A_112, %dma_wait3A_113] : memref<128x128xf32, #tpu.memory_space<vmem>> -> memref<128x128xf32, #tpu.memory_space<vmem>>
      tpu.wait_dma2 semaphore(%run_scoped3A : memref<!tpu.dma_semaphore, #tpu.memory_space<semaphore_mem>>) src(%dma_wait3A_114 : memref<128x128xf32, #tpu.memory_space<vmem>>) dst(%dma_wait3A_111 : memref<128x128xf32, #tpu.memory_space<vmem_shared>>)
      tpu.yield
    }) : () -> ()
    %add3A_25 = arith.constant 384 : i32
    %add3A_26 = arith.addi %mul3A_18, %add3A_25 : i32
    "tpu.region"() ({
      %run_scoped3A = tpu.sem_alloc : memref<!tpu.dma_semaphore, #tpu.memory_space<semaphore_mem>>
      %dma_start3A_95 = arith.constant 0 : i32
      %dma_start3A_96 = arith.constant 0 : i32
      %dma_start3A_97 = tpu.memref_slice %arg11[%dma_start3A_95, %dma_start3A_96] : memref<128x128xf32, #tpu.memory_space<vmem>> -> memref<128x128xf32, #tpu.memory_space<vmem>>
      %dma_start3A_98 = arith.constant 0 : i32
      %dma_start3A_99 = tpu.memref_slice %arg14[%add3A_26, %dma_start3A_98] : memref<10112x128xf32, #tpu.memory_space<vmem_shared>> -> memref<128x128xf32, #tpu.memory_space<vmem_shared>>
      %dma_start3A_100 = arith.constant 0 : i32
      %dma_start3A_101 = tpu.memref_slice %arg14[%add3A_26, %dma_start3A_100] : memref<10112x128xf32, #tpu.memory_space<vmem_shared>> -> memref<128x128xf32, #tpu.memory_space<vmem_shared>>
      %dma_start3A_102 = arith.constant 0 : i32
      %dma_start3A_103 = arith.constant 0 : i32
      %dma_start3A_104 = tpu.memref_slice %arg11[%dma_start3A_102, %dma_start3A_103] : memref<128x128xf32, #tpu.memory_space<vmem>> -> memref<128x128xf32, #tpu.memory_space<vmem>>
      tpu.enqueue_dma source(%dma_start3A_104 : memref<128x128xf32, #tpu.memory_space<vmem>>) target(%dma_start3A_101 : memref<128x128xf32, #tpu.memory_space<vmem_shared>>) target_semaphore(%run_scoped3A : memref<!tpu.dma_semaphore, #tpu.memory_space<semaphore_mem>>)
      %dma_wait3A_105 = arith.constant 0 : i32
      %dma_wait3A_106 = arith.constant 0 : i32
      %dma_wait3A_107 = tpu.memref_slice %arg11[%dma_wait3A_105, %dma_wait3A_106] : memref<128x128xf32, #tpu.memory_space<vmem>> -> memref<128x128xf32, #tpu.memory_space<vmem>>
      %dma_wait3A_108 = arith.constant 0 : i32
      %dma_wait3A_109 = tpu.memref_slice %arg14[%add3A_26, %dma_wait3A_108] : memref<10112x128xf32, #tpu.memory_space<vmem_shared>> -> memref<128x128xf32, #tpu.memory_space<vmem_shared>>
      %dma_wait3A_110 = arith.constant 0 : i32
      %dma_wait3A_111 = tpu.memref_slice %arg14[%add3A_26, %dma_wait3A_110] : memref<10112x128xf32, #tpu.memory_space<vmem_shared>> -> memref<128x128xf32, #tpu.memory_space<vmem_shared>>
      %dma_wait3A_112 = arith.constant 0 : i32
      %dma_wait3A_113 = arith.constant 0 : i32
      %dma_wait3A_114 = tpu.memref_slice %arg11[%dma_wait3A_112, %dma_wait3A_113] : memref<128x128xf32, #tpu.memory_space<vmem>> -> memref<128x128xf32, #tpu.memory_space<vmem>>
      tpu.wait_dma2 semaphore(%run_scoped3A : memref<!tpu.dma_semaphore, #tpu.memory_space<semaphore_mem>>) src(%dma_wait3A_114 : memref<128x128xf32, #tpu.memory_space<vmem>>) dst(%dma_wait3A_111 : memref<128x128xf32, #tpu.memory_space<vmem_shared>>)
      tpu.yield
    }) : () -> ()
    %add3A_27 = arith.constant 512 : i32
    %add3A_28 = arith.addi %mul3A_18, %add3A_27 : i32
    "tpu.region"() ({
      %run_scoped3A = tpu.sem_alloc : memref<!tpu.dma_semaphore, #tpu.memory_space<semaphore_mem>>
      %dma_start3A_95 = arith.constant 0 : i32
      %dma_start3A_96 = arith.constant 0 : i32
      %dma_start3A_97 = tpu.memref_slice %arg11[%dma_start3A_95, %dma_start3A_96] : memref<128x128xf32, #tpu.memory_space<vmem>> -> memref<120x128xf32, #tpu.memory_space<vmem>>
      %dma_start3A_98 = arith.constant 0 : i32
      %dma_start3A_99 = tpu.memref_slice %arg14[%add3A_28, %dma_start3A_98] : memref<10112x128xf32, #tpu.memory_space<vmem_shared>> -> memref<120x128xf32, #tpu.memory_space<vmem_shared>>
      %dma_start3A_100 = arith.constant 0 : i32
      %dma_start3A_101 = tpu.memref_slice %arg14[%add3A_28, %dma_start3A_100] : memref<10112x128xf32, #tpu.memory_space<vmem_shared>> -> memref<120x128xf32, #tpu.memory_space<vmem_shared>>
      %dma_start3A_102 = arith.constant 0 : i32
      %dma_start3A_103 = arith.constant 0 : i32
      %dma_start3A_104 = tpu.memref_slice %arg11[%dma_start3A_102, %dma_start3A_103] : memref<128x128xf32, #tpu.memory_space<vmem>> -> memref<120x128xf32, #tpu.memory_space<vmem>>
      tpu.enqueue_dma source(%dma_start3A_104 : memref<120x128xf32, #tpu.memory_space<vmem>>) target(%dma_start3A_101 : memref<120x128xf32, #tpu.memory_space<vmem_shared>>) target_semaphore(%run_scoped3A : memref<!tpu.dma_semaphore, #tpu.memory_space<semaphore_mem>>)
      %dma_wait3A_105 = arith.constant 0 : i32
      %dma_wait3A_106 = arith.constant 0 : i32
      %dma_wait3A_107 = tpu.memref_slice %arg11[%dma_wait3A_105, %dma_wait3A_106] : memref<128x128xf32, #tpu.memory_space<vmem>> -> memref<120x128xf32, #tpu.memory_space<vmem>>
      %dma_wait3A_108 = arith.constant 0 : i32
      %dma_wait3A_109 = tpu.memref_slice %arg14[%add3A_28, %dma_wait3A_108] : memref<10112x128xf32, #tpu.memory_space<vmem_shared>> -> memref<120x128xf32, #tpu.memory_space<vmem_shared>>
      %dma_wait3A_110 = arith.constant 0 : i32
      %dma_wait3A_111 = tpu.memref_slice %arg14[%add3A_28, %dma_wait3A_110] : memref<10112x128xf32, #tpu.memory_space<vmem_shared>> -> memref<120x128xf32, #tpu.memory_space<vmem_shared>>
      %dma_wait3A_112 = arith.constant 0 : i32
      %dma_wait3A_113 = arith.constant 0 : i32
      %dma_wait3A_114 = tpu.memref_slice %arg11[%dma_wait3A_112, %dma_wait3A_113] : memref<128x128xf32, #tpu.memory_space<vmem>> -> memref<120x128xf32, #tpu.memory_space<vmem>>
      tpu.wait_dma2 semaphore(%run_scoped3A : memref<!tpu.dma_semaphore, #tpu.memory_space<semaphore_mem>>) src(%dma_wait3A_114 : memref<120x128xf32, #tpu.memory_space<vmem>>) dst(%dma_wait3A_111 : memref<120x128xf32, #tpu.memory_space<vmem_shared>>)
      tpu.yield
    }) : () -> ()
    %barrier3A = arith.constant 0 : index
    tpu.barrier barrier_id(%barrier3A)
    %dma_start3A = arith.constant 0 : i32
    %dma_start3A_29 = tpu.memref_slice %arg3[%mul3A_5, %dma_start3A] : memref<2528x128xi32, #tpu.memory_space<hbm>> -> memref<1x128xi32, #tpu.memory_space<hbm>>
    %dma_start3A_30 = tpu.memref_squeeze %dma_start3A_29 : memref<1x128xi32, #tpu.memory_space<hbm>> -> memref<128xi32, #tpu.memory_space<hbm>>
    %dma_start3A_31 = arith.constant 0 : i32
    %dma_start3A_32 = tpu.memref_slice %arg3[%mul3A_5, %dma_start3A_31] : memref<2528x128xi32, #tpu.memory_space<hbm>> -> memref<1x128xi32, #tpu.memory_space<hbm>>
    %dma_start3A_33 = tpu.memref_squeeze %dma_start3A_32 : memref<1x128xi32, #tpu.memory_space<hbm>> -> memref<128xi32, #tpu.memory_space<hbm>>
    tpu.enqueue_dma source(%dma_start3A_33 : memref<128xi32, #tpu.memory_space<hbm>>) target(%arg7 : memref<128xi32, #tpu.memory_space<vmem>>) target_semaphore(%arg16 : memref<!tpu.dma_semaphore, #tpu.memory_space<semaphore_mem>>)
    %dma_start3A_34 = arith.constant 0 : i32
    %dma_start3A_35 = tpu.memref_slice %arg4[%mul3A_5, %dma_start3A_34] : memref<2528x128xi32, #tpu.memory_space<hbm>> -> memref<1x128xi32, #tpu.memory_space<hbm>>
    %dma_start3A_36 = tpu.memref_squeeze %dma_start3A_35 : memref<1x128xi32, #tpu.memory_space<hbm>> -> memref<128xi32, #tpu.memory_space<hbm>>
    %dma_start3A_37 = arith.constant 0 : i32
    %dma_start3A_38 = tpu.memref_slice %arg4[%mul3A_5, %dma_start3A_37] : memref<2528x128xi32, #tpu.memory_space<hbm>> -> memref<1x128xi32, #tpu.memory_space<hbm>>
    %dma_start3A_39 = tpu.memref_squeeze %dma_start3A_38 : memref<1x128xi32, #tpu.memory_space<hbm>> -> memref<128xi32, #tpu.memory_space<hbm>>
    tpu.enqueue_dma source(%dma_start3A_39 : memref<128xi32, #tpu.memory_space<hbm>>) target(%arg8 : memref<128xi32, #tpu.memory_space<vmem>>) target_semaphore(%arg16 : memref<!tpu.dma_semaphore, #tpu.memory_space<semaphore_mem>>)
    %add3A_40 = arith.constant 1 : i32
    %add3A_41 = arith.addi %mul3A_5, %add3A_40 : i32
    %dma_start3A_42 = arith.constant 0 : i32
    %dma_start3A_43 = tpu.memref_slice %arg3[%add3A_41, %dma_start3A_42] : memref<2528x128xi32, #tpu.memory_space<hbm>> -> memref<1x128xi32, #tpu.memory_space<hbm>>
    %dma_start3A_44 = tpu.memref_squeeze %dma_start3A_43 : memref<1x128xi32, #tpu.memory_space<hbm>> -> memref<128xi32, #tpu.memory_space<hbm>>
    %dma_start3A_45 = arith.constant 0 : i32
    %dma_start3A_46 = tpu.memref_slice %arg3[%add3A_41, %dma_start3A_45] : memref<2528x128xi32, #tpu.memory_space<hbm>> -> memref<1x128xi32, #tpu.memory_space<hbm>>
    %dma_start3A_47 = tpu.memref_squeeze %dma_start3A_46 : memref<1x128xi32, #tpu.memory_space<hbm>> -> memref<128xi32, #tpu.memory_space<hbm>>
    tpu.enqueue_dma source(%dma_start3A_47 : memref<128xi32, #tpu.memory_space<hbm>>) target(%arg9 : memref<128xi32, #tpu.memory_space<vmem>>) target_semaphore(%arg17 : memref<!tpu.dma_semaphore, #tpu.memory_space<semaphore_mem>>)
    %dma_start3A_48 = arith.constant 0 : i32
    %dma_start3A_49 = tpu.memref_slice %arg4[%add3A_41, %dma_start3A_48] : memref<2528x128xi32, #tpu.memory_space<hbm>> -> memref<1x128xi32, #tpu.memory_space<hbm>>
    %dma_start3A_50 = tpu.memref_squeeze %dma_start3A_49 : memref<1x128xi32, #tpu.memory_space<hbm>> -> memref<128xi32, #tpu.memory_space<hbm>>
    %dma_start3A_51 = arith.constant 0 : i32
    %dma_start3A_52 = tpu.memref_slice %arg4[%add3A_41, %dma_start3A_51] : memref<2528x128xi32, #tpu.memory_space<hbm>> -> memref<1x128xi32, #tpu.memory_space<hbm>>
    %dma_start3A_53 = tpu.memref_squeeze %dma_start3A_52 : memref<1x128xi32, #tpu.memory_space<hbm>> -> memref<128xi32, #tpu.memory_space<hbm>>
    tpu.enqueue_dma source(%dma_start3A_53 : memref<128xi32, #tpu.memory_space<hbm>>) target(%arg10 : memref<128xi32, #tpu.memory_space<vmem>>) target_semaphore(%arg17 : memref<!tpu.dma_semaphore, #tpu.memory_space<semaphore_mem>>)
    %scan3A_54 = arith.constant 0 : i32
    %scan3A_55 = arith.constant 0 : i32
    %scan3A_56 = arith.constant 39 : i32
    %scan3A_57 = arith.addi %scan3A_55, %scan3A_56 : i32
    %scan3A_58 = arith.constant 1 : i32
    scf.for %scan3A_95 = %scan3A_55 to %scan3A_57 step %scan3A_58  : i32 {
      %mul3A_96 = arith.constant 2 : i32
      %mul3A_97 = arith.muli %mul3A_96, %scan3A_95 : i32
      %mul3A_98 = arith.constant 2 : i32
      %mul3A_99 = arith.muli %mul3A_98, %scan3A_95 : i32
      %add3A_100 = arith.constant 1 : i32
      %add3A_101 = arith.addi %mul3A_99, %add3A_100 : i32
      %dma_wait3A_102 = arith.constant 0 : i32
      %dma_wait3A_103 = arith.constant 0 : i32
      %dma_wait3A_104 = tpu.memref_slice %arg3[%dma_wait3A_102, %dma_wait3A_103] : memref<2528x128xi32, #tpu.memory_space<hbm>> -> memref<1x128xi32, #tpu.memory_space<hbm>>
      %dma_wait3A_105 = tpu.memref_squeeze %dma_wait3A_104 : memref<1x128xi32, #tpu.memory_space<hbm>> -> memref<128xi32, #tpu.memory_space<hbm>>
      %dma_wait3A_106 = arith.constant 0 : i32
      %dma_wait3A_107 = tpu.memref_slice %arg3[%dma_wait3A_102, %dma_wait3A_106] : memref<2528x128xi32, #tpu.memory_space<hbm>> -> memref<1x128xi32, #tpu.memory_space<hbm>>
      %dma_wait3A_108 = tpu.memref_squeeze %dma_wait3A_107 : memref<1x128xi32, #tpu.memory_space<hbm>> -> memref<128xi32, #tpu.memory_space<hbm>>
      tpu.wait_dma2 semaphore(%arg16 : memref<!tpu.dma_semaphore, #tpu.memory_space<semaphore_mem>>) src(%dma_wait3A_108 : memref<128xi32, #tpu.memory_space<hbm>>) dst(%arg7 : memref<128xi32, #tpu.memory_space<vmem>>)
      %dma_wait3A_109 = arith.constant 0 : i32
      %dma_wait3A_110 = arith.constant 0 : i32
      %dma_wait3A_111 = tpu.memref_slice %arg4[%dma_wait3A_109, %dma_wait3A_110] : memref<2528x128xi32, #tpu.memory_space<hbm>> -> memref<1x128xi32, #tpu.memory_space<hbm>>
      %dma_wait3A_112 = tpu.memref_squeeze %dma_wait3A_111 : memref<1x128xi32, #tpu.memory_space<hbm>> -> memref<128xi32, #tpu.memory_space<hbm>>
      %dma_wait3A_113 = arith.constant 0 : i32
      %dma_wait3A_114 = tpu.memref_slice %arg4[%dma_wait3A_109, %dma_wait3A_113] : memref<2528x128xi32, #tpu.memory_space<hbm>> -> memref<1x128xi32, #tpu.memory_space<hbm>>
      %dma_wait3A_115 = tpu.memref_squeeze %dma_wait3A_114 : memref<1x128xi32, #tpu.memory_space<hbm>> -> memref<128xi32, #tpu.memory_space<hbm>>
      tpu.wait_dma2 semaphore(%arg16 : memref<!tpu.dma_semaphore, #tpu.memory_space<semaphore_mem>>) src(%dma_wait3A_115 : memref<128xi32, #tpu.memory_space<hbm>>) dst(%arg8 : memref<128xi32, #tpu.memory_space<vmem>>)
      %dma_start3A_116 = arith.constant 0 : i32
      %dma_start3A_117 = arith.constant 0 : i32
      %dma_start3A_118 = tpu.memref_slice %arg2[%dma_start3A_116, %dma_start3A_117] : memref<10000x128xf32, #tpu.memory_space<hbm>> -> memref<10000x128xf32, #tpu.memory_space<hbm>>
      tpu.enqueue_indirect_dma source(%dma_start3A_118 : memref<10000x128xf32, #tpu.memory_space<hbm>>) target(%arg11 : memref<128x128xf32, #tpu.memory_space<vmem>>) offsets(%arg7 : memref<128xi32, #tpu.memory_space<vmem>>) semaphore(%arg15 : memref<!tpu.dma_semaphore, #tpu.memory_space<semaphore_mem>>)
      %dma_wait3A_119 = arith.constant 0 : i32
      %dma_wait3A_120 = arith.constant 0 : i32
      %dma_wait3A_121 = tpu.memref_slice %arg2[%dma_wait3A_119, %dma_wait3A_120] : memref<10000x128xf32, #tpu.memory_space<hbm>> -> memref<10000x128xf32, #tpu.memory_space<hbm>>
      tpu.wait_indirect_dma semaphore(%arg15 : memref<!tpu.dma_semaphore, #tpu.memory_space<semaphore_mem>>) src(%dma_wait3A_121 : memref<10000x128xf32, #tpu.memory_space<hbm>>) dst(%arg11 : memref<128x128xf32, #tpu.memory_space<vmem>>)
      %dma_wait3A_122 = arith.constant 0 : i32
      %dma_wait3A_123 = arith.constant 0 : i32
      %dma_wait3A_124 = tpu.memref_slice %arg3[%dma_wait3A_122, %dma_wait3A_123] : memref<2528x128xi32, #tpu.memory_space<hbm>> -> memref<1x128xi32, #tpu.memory_space<hbm>>
      %dma_wait3A_125 = tpu.memref_squeeze %dma_wait3A_124 : memref<1x128xi32, #tpu.memory_space<hbm>> -> memref<128xi32, #tpu.memory_space<hbm>>
      %dma_wait3A_126 = arith.constant 0 : i32
      %dma_wait3A_127 = tpu.memref_slice %arg3[%dma_wait3A_122, %dma_wait3A_126] : memref<2528x128xi32, #tpu.memory_space<hbm>> -> memref<1x128xi32, #tpu.memory_space<hbm>>
      %dma_wait3A_128 = tpu.memref_squeeze %dma_wait3A_127 : memref<1x128xi32, #tpu.memory_space<hbm>> -> memref<128xi32, #tpu.memory_space<hbm>>
      tpu.wait_dma2 semaphore(%arg17 : memref<!tpu.dma_semaphore, #tpu.memory_space<semaphore_mem>>) src(%dma_wait3A_128 : memref<128xi32, #tpu.memory_space<hbm>>) dst(%arg9 : memref<128xi32, #tpu.memory_space<vmem>>)
      %dma_wait3A_129 = arith.constant 0 : i32
      %dma_wait3A_130 = arith.constant 0 : i32
      %dma_wait3A_131 = tpu.memref_slice %arg4[%dma_wait3A_129, %dma_wait3A_130] : memref<2528x128xi32, #tpu.memory_space<hbm>> -> memref<1x128xi32, #tpu.memory_space<hbm>>
      %dma_wait3A_132 = tpu.memref_squeeze %dma_wait3A_131 : memref<1x128xi32, #tpu.memory_space<hbm>> -> memref<128xi32, #tpu.memory_space<hbm>>
      %dma_wait3A_133 = arith.constant 0 : i32
      %dma_wait3A_134 = tpu.memref_slice %arg4[%dma_wait3A_129, %dma_wait3A_133] : memref<2528x128xi32, #tpu.memory_space<hbm>> -> memref<1x128xi32, #tpu.memory_space<hbm>>
      %dma_wait3A_135 = tpu.memref_squeeze %dma_wait3A_134 : memref<1x128xi32, #tpu.memory_space<hbm>> -> memref<128xi32, #tpu.memory_space<hbm>>
      tpu.wait_dma2 semaphore(%arg17 : memref<!tpu.dma_semaphore, #tpu.memory_space<semaphore_mem>>) src(%dma_wait3A_135 : memref<128xi32, #tpu.memory_space<hbm>>) dst(%arg10 : memref<128xi32, #tpu.memory_space<vmem>>)
      %dma_start3A_136 = arith.constant 0 : i32
      %dma_start3A_137 = arith.constant 0 : i32
      %dma_start3A_138 = tpu.memref_slice %arg2[%dma_start3A_136, %dma_start3A_137] : memref<10000x128xf32, #tpu.memory_space<hbm>> -> memref<10000x128xf32, #tpu.memory_space<hbm>>
      tpu.enqueue_indirect_dma source(%dma_start3A_138 : memref<10000x128xf32, #tpu.memory_space<hbm>>) target(%arg12 : memref<128x128xf32, #tpu.memory_space<vmem>>) offsets(%arg9 : memref<128xi32, #tpu.memory_space<vmem>>) semaphore(%arg15 : memref<!tpu.dma_semaphore, #tpu.memory_space<semaphore_mem>>)
      "tpu.region"() ({
        %run_scoped3A = tpu.sem_alloc : memref<!tpu.dma_semaphore, #tpu.memory_space<semaphore_mem>>
        %dma_start3A_185 = arith.constant 0 : i32
        %dma_start3A_186 = arith.constant 0 : i32
        %dma_start3A_187 = tpu.memref_slice %arg14[%dma_start3A_185, %dma_start3A_186] : memref<10112x128xf32, #tpu.memory_space<vmem_shared>> -> memref<10112x128xf32, #tpu.memory_space<vmem_shared>>
        tpu.enqueue_indirect_dma source(%arg11 : memref<128x128xf32, #tpu.memory_space<vmem>>) target(%dma_start3A_187 : memref<10112x128xf32, #tpu.memory_space<vmem_shared>>) offsets(%arg8 : memref<128xi32, #tpu.memory_space<vmem>>) semaphore(%run_scoped3A : memref<!tpu.dma_semaphore, #tpu.memory_space<semaphore_mem>>) {add = true}
        %dma_wait3A_188 = arith.constant 0 : i32
        %dma_wait3A_189 = arith.constant 0 : i32
        %dma_wait3A_190 = tpu.memref_slice %arg14[%dma_wait3A_188, %dma_wait3A_189] : memref<10112x128xf32, #tpu.memory_space<vmem_shared>> -> memref<10112x128xf32, #tpu.memory_space<vmem_shared>>
        tpu.wait_indirect_dma semaphore(%run_scoped3A : memref<!tpu.dma_semaphore, #tpu.memory_space<semaphore_mem>>) src(%arg11 : memref<128x128xf32, #tpu.memory_space<vmem>>) dst(%dma_wait3A_190 : memref<10112x128xf32, #tpu.memory_space<vmem_shared>>)
        tpu.yield
      }) : () -> ()
      %get3A_139 = arith.constant 0 : index
      %get3A_140 = tpu.vector_load %arg8[%get3A_139] {strides = array<i32>} : memref<128xi32, #tpu.memory_space<vmem>>, vector<16xi32>,
      tpu.vector_store_idx %arg13[%get3A_140], %broadcast_in_dim3A_3 {add = true} : memref<10112xf32, #tpu.memory_space<vmem>>[vector<16xi32>], vector<16xf32>,
      %get3A_141 = arith.constant 16 : index
      %get3A_142 = tpu.vector_load %arg8[%get3A_141] {strides = array<i32>} : memref<128xi32, #tpu.memory_space<vmem>>, vector<16xi32>,
      tpu.vector_store_idx %arg13[%get3A_142], %broadcast_in_dim3A_3 {add = true} : memref<10112xf32, #tpu.memory_space<vmem>>[vector<16xi32>], vector<16xf32>,
      %get3A_143 = arith.constant 32 : index
      %get3A_144 = tpu.vector_load %arg8[%get3A_143] {strides = array<i32>} : memref<128xi32, #tpu.memory_space<vmem>>, vector<16xi32>,
      tpu.vector_store_idx %arg13[%get3A_144], %broadcast_in_dim3A_3 {add = true} : memref<10112xf32, #tpu.memory_space<vmem>>[vector<16xi32>], vector<16xf32>,
      %get3A_145 = arith.constant 48 : index
      %get3A_146 = tpu.vector_load %arg8[%get3A_145] {strides = array<i32>} : memref<128xi32, #tpu.memory_space<vmem>>, vector<16xi32>,
      tpu.vector_store_idx %arg13[%get3A_146], %broadcast_in_dim3A_3 {add = true} : memref<10112xf32, #tpu.memory_space<vmem>>[vector<16xi32>], vector<16xf32>,
      %get3A_147 = arith.constant 64 : index
      %get3A_148 = tpu.vector_load %arg8[%get3A_147] {strides = array<i32>} : memref<128xi32, #tpu.memory_space<vmem>>, vector<16xi32>,
      tpu.vector_store_idx %arg13[%get3A_148], %broadcast_in_dim3A_3 {add = true} : memref<10112xf32, #tpu.memory_space<vmem>>[vector<16xi32>], vector<16xf32>,
      %get3A_149 = arith.constant 80 : index
      %get3A_150 = tpu.vector_load %arg8[%get3A_149] {strides = array<i32>} : memref<128xi32, #tpu.memory_space<vmem>>, vector<16xi32>,
      tpu.vector_store_idx %arg13[%get3A_150], %broadcast_in_dim3A_3 {add = true} : memref<10112xf32, #tpu.memory_space<vmem>>[vector<16xi32>], vector<16xf32>,
      %get3A_151 = arith.constant 96 : index
      %get3A_152 = tpu.vector_load %arg8[%get3A_151] {strides = array<i32>} : memref<128xi32, #tpu.memory_space<vmem>>, vector<16xi32>,
      tpu.vector_store_idx %arg13[%get3A_152], %broadcast_in_dim3A_3 {add = true} : memref<10112xf32, #tpu.memory_space<vmem>>[vector<16xi32>], vector<16xf32>,
      %get3A_153 = arith.constant 112 : index
      %get3A_154 = tpu.vector_load %arg8[%get3A_153] {strides = array<i32>} : memref<128xi32, #tpu.memory_space<vmem>>, vector<16xi32>,
      tpu.vector_store_idx %arg13[%get3A_154], %broadcast_in_dim3A_3 {add = true} : memref<10112xf32, #tpu.memory_space<vmem>>[vector<16xi32>], vector<16xf32>,
      %add3A_155 = arith.constant 2 : i32
      %add3A_156 = arith.addi %mul3A_97, %add3A_155 : i32
      %lt3A = arith.constant 79 : i32
      %lt3A_157 = arith.cmpi slt, %add3A_156, %lt3A : i32
      %convert_element_type3A = arith.extui %lt3A_157 : i1 to i32
      %cond3A = arith.constant 0 : i32
      %cond3A_158 = arith.cmpi ne, %convert_element_type3A, %cond3A : i32
      scf.if %cond3A_158 {
        %add3A_185 = arith.addi %mul3A_5, %mul3A_97 : i32
        %add3A_186 = arith.constant 2 : i32
        %add3A_187 = arith.addi %add3A_185, %add3A_186 : i32
        %dma_start3A_188 = arith.constant 0 : i32
        %dma_start3A_189 = tpu.memref_slice %arg3[%add3A_187, %dma_start3A_188] : memref<2528x128xi32, #tpu.memory_space<hbm>> -> memref<1x128xi32, #tpu.memory_space<hbm>>
        %dma_start3A_190 = tpu.memref_squeeze %dma_start3A_189 : memref<1x128xi32, #tpu.memory_space<hbm>> -> memref<128xi32, #tpu.memory_space<hbm>>
        %dma_start3A_191 = arith.constant 0 : i32
        %dma_start3A_192 = tpu.memref_slice %arg3[%add3A_187, %dma_start3A_191] : memref<2528x128xi32, #tpu.memory_space<hbm>> -> memref<1x128xi32, #tpu.memory_space<hbm>>
        %dma_start3A_193 = tpu.memref_squeeze %dma_start3A_192 : memref<1x128xi32, #tpu.memory_space<hbm>> -> memref<128xi32, #tpu.memory_space<hbm>>
        tpu.enqueue_dma source(%dma_start3A_193 : memref<128xi32, #tpu.memory_space<hbm>>) target(%arg7 : memref<128xi32, #tpu.memory_space<vmem>>) target_semaphore(%arg16 : memref<!tpu.dma_semaphore, #tpu.memory_space<semaphore_mem>>)
        %dma_start3A_194 = arith.constant 0 : i32
        %dma_start3A_195 = tpu.memref_slice %arg4[%add3A_187, %dma_start3A_194] : memref<2528x128xi32, #tpu.memory_space<hbm>> -> memref<1x128xi32, #tpu.memory_space<hbm>>
        %dma_start3A_196 = tpu.memref_squeeze %dma_start3A_195 : memref<1x128xi32, #tpu.memory_space<hbm>> -> memref<128xi32, #tpu.memory_space<hbm>>
        %dma_start3A_197 = arith.constant 0 : i32
        %dma_start3A_198 = tpu.memref_slice %arg4[%add3A_187, %dma_start3A_197] : memref<2528x128xi32, #tpu.memory_space<hbm>> -> memref<1x128xi32, #tpu.memory_space<hbm>>
        %dma_start3A_199 = tpu.memref_squeeze %dma_start3A_198 : memref<1x128xi32, #tpu.memory_space<hbm>> -> memref<128xi32, #tpu.memory_space<hbm>>
        tpu.enqueue_dma source(%dma_start3A_199 : memref<128xi32, #tpu.memory_space<hbm>>) target(%arg8 : memref<128xi32, #tpu.memory_space<vmem>>) target_semaphore(%arg16 : memref<!tpu.dma_semaphore, #tpu.memory_space<semaphore_mem>>)
      } else {
      }
      %dma_wait3A_159 = arith.constant 0 : i32
      %dma_wait3A_160 = arith.constant 0 : i32
      %dma_wait3A_161 = tpu.memref_slice %arg2[%dma_wait3A_159, %dma_wait3A_160] : memref<10000x128xf32, #tpu.memory_space<hbm>> -> memref<10000x128xf32, #tpu.memory_space<hbm>>
      tpu.wait_indirect_dma semaphore(%arg15 : memref<!tpu.dma_semaphore, #tpu.memory_space<semaphore_mem>>) src(%dma_wait3A_161 : memref<10000x128xf32, #tpu.memory_space<hbm>>) dst(%arg12 : memref<128x128xf32, #tpu.memory_space<vmem>>)
      "tpu.region"() ({
        %run_scoped3A = tpu.sem_alloc : memref<!tpu.dma_semaphore, #tpu.memory_space<semaphore_mem>>
        %dma_start3A_185 = arith.constant 0 : i32
        %dma_start3A_186 = arith.constant 0 : i32
        %dma_start3A_187 = tpu.memref_slice %arg14[%dma_start3A_185, %dma_start3A_186] : memref<10112x128xf32, #tpu.memory_space<vmem_shared>> -> memref<10112x128xf32, #tpu.memory_space<vmem_shared>>
        tpu.enqueue_indirect_dma source(%arg12 : memref<128x128xf32, #tpu.memory_space<vmem>>) target(%dma_start3A_187 : memref<10112x128xf32, #tpu.memory_space<vmem_shared>>) offsets(%arg10 : memref<128xi32, #tpu.memory_space<vmem>>) semaphore(%run_scoped3A : memref<!tpu.dma_semaphore, #tpu.memory_space<semaphore_mem>>) {add = true}
        %dma_wait3A_188 = arith.constant 0 : i32
        %dma_wait3A_189 = arith.constant 0 : i32
        %dma_wait3A_190 = tpu.memref_slice %arg14[%dma_wait3A_188, %dma_wait3A_189] : memref<10112x128xf32, #tpu.memory_space<vmem_shared>> -> memref<10112x128xf32, #tpu.memory_space<vmem_shared>>
        tpu.wait_indirect_dma semaphore(%run_scoped3A : memref<!tpu.dma_semaphore, #tpu.memory_space<semaphore_mem>>) src(%arg12 : memref<128x128xf32, #tpu.memory_space<vmem>>) dst(%dma_wait3A_190 : memref<10112x128xf32, #tpu.memory_space<vmem_shared>>)
        tpu.yield
      }) : () -> ()
      %get3A_162 = arith.constant 0 : index
      %get3A_163 = tpu.vector_load %arg10[%get3A_162] {strides = array<i32>} : memref<128xi32, #tpu.memory_space<vmem>>, vector<16xi32>,
      tpu.vector_store_idx %arg13[%get3A_163], %broadcast_in_dim3A_3 {add = true} : memref<10112xf32, #tpu.memory_space<vmem>>[vector<16xi32>], vector<16xf32>,
      %get3A_164 = arith.constant 16 : index
      %get3A_165 = tpu.vector_load %arg10[%get3A_164] {strides = array<i32>} : memref<128xi32, #tpu.memory_space<vmem>>, vector<16xi32>,
      tpu.vector_store_idx %arg13[%get3A_165], %broadcast_in_dim3A_3 {add = true} : memref<10112xf32, #tpu.memory_space<vmem>>[vector<16xi32>], vector<16xf32>,
      %get3A_166 = arith.constant 32 : index
      %get3A_167 = tpu.vector_load %arg10[%get3A_166] {strides = array<i32>} : memref<128xi32, #tpu.memory_space<vmem>>, vector<16xi32>,
      tpu.vector_store_idx %arg13[%get3A_167], %broadcast_in_dim3A_3 {add = true} : memref<10112xf32, #tpu.memory_space<vmem>>[vector<16xi32>], vector<16xf32>,
      %get3A_168 = arith.constant 48 : index
      %get3A_169 = tpu.vector_load %arg10[%get3A_168] {strides = array<i32>} : memref<128xi32, #tpu.memory_space<vmem>>, vector<16xi32>,
      tpu.vector_store_idx %arg13[%get3A_169], %broadcast_in_dim3A_3 {add = true} : memref<10112xf32, #tpu.memory_space<vmem>>[vector<16xi32>], vector<16xf32>,
      %get3A_170 = arith.constant 64 : index
      %get3A_171 = tpu.vector_load %arg10[%get3A_170] {strides = array<i32>} : memref<128xi32, #tpu.memory_space<vmem>>, vector<16xi32>,
      tpu.vector_store_idx %arg13[%get3A_171], %broadcast_in_dim3A_3 {add = true} : memref<10112xf32, #tpu.memory_space<vmem>>[vector<16xi32>], vector<16xf32>,
      %get3A_172 = arith.constant 80 : index
      %get3A_173 = tpu.vector_load %arg10[%get3A_172] {strides = array<i32>} : memref<128xi32, #tpu.memory_space<vmem>>, vector<16xi32>,
      tpu.vector_store_idx %arg13[%get3A_173], %broadcast_in_dim3A_3 {add = true} : memref<10112xf32, #tpu.memory_space<vmem>>[vector<16xi32>], vector<16xf32>,
      %get3A_174 = arith.constant 96 : index
      %get3A_175 = tpu.vector_load %arg10[%get3A_174] {strides = array<i32>} : memref<128xi32, #tpu.memory_space<vmem>>, vector<16xi32>,
      tpu.vector_store_idx %arg13[%get3A_175], %broadcast_in_dim3A_3 {add = true} : memref<10112xf32, #tpu.memory_space<vmem>>[vector<16xi32>], vector<16xf32>,
      %get3A_176 = arith.constant 112 : index
      %get3A_177 = tpu.vector_load %arg10[%get3A_176] {strides = array<i32>} : memref<128xi32, #tpu.memory_space<vmem>>, vector<16xi32>,
      tpu.vector_store_idx %arg13[%get3A_177], %broadcast_in_dim3A_3 {add = true} : memref<10112xf32, #tpu.memory_space<vmem>>[vector<16xi32>], vector<16xf32>,
      %add3A_178 = arith.constant 2 : i32
      %add3A_179 = arith.addi %add3A_101, %add3A_178 : i32
      %lt3A_180 = arith.constant 79 : i32
      %lt3A_181 = arith.cmpi slt, %add3A_179, %lt3A_180 : i32
      %convert_element_type3A_182 = arith.extui %lt3A_181 : i1 to i32
      %cond3A_183 = arith.constant 0 : i32
      %cond3A_184 = arith.cmpi ne, %convert_element_type3A_182, %cond3A_183 : i32
      scf.if %cond3A_184 {
        %add3A_185 = arith.addi %mul3A_5, %add3A_101 : i32
        %add3A_186 = arith.constant 2 : i32
        %add3A_187 = arith.addi %add3A_185, %add3A_186 : i32
        %dma_start3A_188 = arith.constant 0 : i32
        %dma_start3A_189 = tpu.memref_slice %arg3[%add3A_187, %dma_start3A_188] : memref<2528x128xi32, #tpu.memory_space<hbm>> -> memref<1x128xi32, #tpu.memory_space<hbm>>
        %dma_start3A_190 = tpu.memref_squeeze %dma_start3A_189 : memref<1x128xi32, #tpu.memory_space<hbm>> -> memref<128xi32, #tpu.memory_space<hbm>>
        %dma_start3A_191 = arith.constant 0 : i32
        %dma_start3A_192 = tpu.memref_slice %arg3[%add3A_187, %dma_start3A_191] : memref<2528x128xi32, #tpu.memory_space<hbm>> -> memref<1x128xi32, #tpu.memory_space<hbm>>
        %dma_start3A_193 = tpu.memref_squeeze %dma_start3A_192 : memref<1x128xi32, #tpu.memory_space<hbm>> -> memref<128xi32, #tpu.memory_space<hbm>>
        tpu.enqueue_dma source(%dma_start3A_193 : memref<128xi32, #tpu.memory_space<hbm>>) target(%arg9 : memref<128xi32, #tpu.memory_space<vmem>>) target_semaphore(%arg17 : memref<!tpu.dma_semaphore, #tpu.memory_space<semaphore_mem>>)
        %dma_start3A_194 = arith.constant 0 : i32
        %dma_start3A_195 = tpu.memref_slice %arg4[%add3A_187, %dma_start3A_194] : memref<2528x128xi32, #tpu.memory_space<hbm>> -> memref<1x128xi32, #tpu.memory_space<hbm>>
        %dma_start3A_196 = tpu.memref_squeeze %dma_start3A_195 : memref<1x128xi32, #tpu.memory_space<hbm>> -> memref<128xi32, #tpu.memory_space<hbm>>
        %dma_start3A_197 = arith.constant 0 : i32
        %dma_start3A_198 = tpu.memref_slice %arg4[%add3A_187, %dma_start3A_197] : memref<2528x128xi32, #tpu.memory_space<hbm>> -> memref<1x128xi32, #tpu.memory_space<hbm>>
        %dma_start3A_199 = tpu.memref_squeeze %dma_start3A_198 : memref<1x128xi32, #tpu.memory_space<hbm>> -> memref<128xi32, #tpu.memory_space<hbm>>
        tpu.enqueue_dma source(%dma_start3A_199 : memref<128xi32, #tpu.memory_space<hbm>>) target(%arg10 : memref<128xi32, #tpu.memory_space<vmem>>) target_semaphore(%arg17 : memref<!tpu.dma_semaphore, #tpu.memory_space<semaphore_mem>>)
      } else {
      }
    }
    %scan3A_59 = arith.constant 39 : i32
    %dma_wait3A = arith.constant 0 : i32
    %dma_wait3A_60 = arith.constant 0 : i32
    %dma_wait3A_61 = tpu.memref_slice %arg3[%dma_wait3A, %dma_wait3A_60] : memref<2528x128xi32, #tpu.memory_space<hbm>> -> memref<1x128xi32, #tpu.memory_space<hbm>>
    %dma_wait3A_62 = tpu.memref_squeeze %dma_wait3A_61 : memref<1x128xi32, #tpu.memory_space<hbm>> -> memref<128xi32, #tpu.memory_space<hbm>>
    %dma_wait3A_63 = arith.constant 0 : i32
    %dma_wait3A_64 = tpu.memref_slice %arg3[%dma_wait3A, %dma_wait3A_63] : memref<2528x128xi32, #tpu.memory_space<hbm>> -> memref<1x128xi32, #tpu.memory_space<hbm>>
    %dma_wait3A_65 = tpu.memref_squeeze %dma_wait3A_64 : memref<1x128xi32, #tpu.memory_space<hbm>> -> memref<128xi32, #tpu.memory_space<hbm>>
    tpu.wait_dma2 semaphore(%arg16 : memref<!tpu.dma_semaphore, #tpu.memory_space<semaphore_mem>>) src(%dma_wait3A_65 : memref<128xi32, #tpu.memory_space<hbm>>) dst(%arg7 : memref<128xi32, #tpu.memory_space<vmem>>)
    %dma_wait3A_66 = arith.constant 0 : i32
    %dma_wait3A_67 = arith.constant 0 : i32
    %dma_wait3A_68 = tpu.memref_slice %arg4[%dma_wait3A_66, %dma_wait3A_67] : memref<2528x128xi32, #tpu.memory_space<hbm>> -> memref<1x128xi32, #tpu.memory_space<hbm>>
    %dma_wait3A_69 = tpu.memref_squeeze %dma_wait3A_68 : memref<1x128xi32, #tpu.memory_space<hbm>> -> memref<128xi32, #tpu.memory_space<hbm>>
    %dma_wait3A_70 = arith.constant 0 : i32
    %dma_wait3A_71 = tpu.memref_slice %arg4[%dma_wait3A_66, %dma_wait3A_70] : memref<2528x128xi32, #tpu.memory_space<hbm>> -> memref<1x128xi32, #tpu.memory_space<hbm>>
    %dma_wait3A_72 = tpu.memref_squeeze %dma_wait3A_71 : memref<1x128xi32, #tpu.memory_space<hbm>> -> memref<128xi32, #tpu.memory_space<hbm>>
    tpu.wait_dma2 semaphore(%arg16 : memref<!tpu.dma_semaphore, #tpu.memory_space<semaphore_mem>>) src(%dma_wait3A_72 : memref<128xi32, #tpu.memory_space<hbm>>) dst(%arg8 : memref<128xi32, #tpu.memory_space<vmem>>)
    %dma_start3A_73 = arith.constant 0 : i32
    %dma_start3A_74 = arith.constant 0 : i32
    %dma_start3A_75 = tpu.memref_slice %arg2[%dma_start3A_73, %dma_start3A_74] : memref<10000x128xf32, #tpu.memory_space<hbm>> -> memref<10000x128xf32, #tpu.memory_space<hbm>>
    tpu.enqueue_indirect_dma source(%dma_start3A_75 : memref<10000x128xf32, #tpu.memory_space<hbm>>) target(%arg11 : memref<128x128xf32, #tpu.memory_space<vmem>>) offsets(%arg7 : memref<128xi32, #tpu.memory_space<vmem>>) semaphore(%arg15 : memref<!tpu.dma_semaphore, #tpu.memory_space<semaphore_mem>>)
    %dma_wait3A_76 = arith.constant 0 : i32
    %dma_wait3A_77 = arith.constant 0 : i32
    %dma_wait3A_78 = tpu.memref_slice %arg2[%dma_wait3A_76, %dma_wait3A_77] : memref<10000x128xf32, #tpu.memory_space<hbm>> -> memref<10000x128xf32, #tpu.memory_space<hbm>>
    tpu.wait_indirect_dma semaphore(%arg15 : memref<!tpu.dma_semaphore, #tpu.memory_space<semaphore_mem>>) src(%dma_wait3A_78 : memref<10000x128xf32, #tpu.memory_space<hbm>>) dst(%arg11 : memref<128x128xf32, #tpu.memory_space<vmem>>)
    "tpu.region"() ({
      %run_scoped3A = tpu.sem_alloc : memref<!tpu.dma_semaphore, #tpu.memory_space<semaphore_mem>>
      %dma_start3A_95 = arith.constant 0 : i32
      %dma_start3A_96 = arith.constant 0 : i32
      %dma_start3A_97 = tpu.memref_slice %arg14[%dma_start3A_95, %dma_start3A_96] : memref<10112x128xf32, #tpu.memory_space<vmem_shared>> -> memref<10112x128xf32, #tpu.memory_space<vmem_shared>>
      tpu.enqueue_indirect_dma source(%arg11 : memref<128x128xf32, #tpu.memory_space<vmem>>) target(%dma_start3A_97 : memref<10112x128xf32, #tpu.memory_space<vmem_shared>>) offsets(%arg8 : memref<128xi32, #tpu.memory_space<vmem>>) semaphore(%run_scoped3A : memref<!tpu.dma_semaphore, #tpu.memory_space<semaphore_mem>>) {add = true}
      %dma_wait3A_98 = arith.constant 0 : i32
      %dma_wait3A_99 = arith.constant 0 : i32
      %dma_wait3A_100 = tpu.memref_slice %arg14[%dma_wait3A_98, %dma_wait3A_99] : memref<10112x128xf32, #tpu.memory_space<vmem_shared>> -> memref<10112x128xf32, #tpu.memory_space<vmem_shared>>
      tpu.wait_indirect_dma semaphore(%run_scoped3A : memref<!tpu.dma_semaphore, #tpu.memory_space<semaphore_mem>>) src(%arg11 : memref<128x128xf32, #tpu.memory_space<vmem>>) dst(%dma_wait3A_100 : memref<10112x128xf32, #tpu.memory_space<vmem_shared>>)
      tpu.yield
    }) : () -> ()
    %get3A = arith.constant 0 : index
    %get3A_79 = tpu.vector_load %arg8[%get3A] {strides = array<i32>} : memref<128xi32, #tpu.memory_space<vmem>>, vector<16xi32>,
    tpu.vector_store_idx %arg13[%get3A_79], %broadcast_in_dim3A_3 {add = true} : memref<10112xf32, #tpu.memory_space<vmem>>[vector<16xi32>], vector<16xf32>,
    %get3A_80 = arith.constant 16 : index
    %get3A_81 = tpu.vector_load %arg8[%get3A_80] {strides = array<i32>} : memref<128xi32, #tpu.memory_space<vmem>>, vector<16xi32>,
    tpu.vector_store_idx %arg13[%get3A_81], %broadcast_in_dim3A_3 {add = true} : memref<10112xf32, #tpu.memory_space<vmem>>[vector<16xi32>], vector<16xf32>,
    %get3A_82 = arith.constant 32 : index
    %get3A_83 = tpu.vector_load %arg8[%get3A_82] {strides = array<i32>} : memref<128xi32, #tpu.memory_space<vmem>>, vector<16xi32>,
    tpu.vector_store_idx %arg13[%get3A_83], %broadcast_in_dim3A_3 {add = true} : memref<10112xf32, #tpu.memory_space<vmem>>[vector<16xi32>], vector<16xf32>,
    %get3A_84 = arith.constant 48 : index
    %get3A_85 = tpu.vector_load %arg8[%get3A_84] {strides = array<i32>} : memref<128xi32, #tpu.memory_space<vmem>>, vector<16xi32>,
    tpu.vector_store_idx %arg13[%get3A_85], %broadcast_in_dim3A_3 {add = true} : memref<10112xf32, #tpu.memory_space<vmem>>[vector<16xi32>], vector<16xf32>,
    %get3A_86 = arith.constant 64 : index
    %get3A_87 = tpu.vector_load %arg8[%get3A_86] {strides = array<i32>} : memref<128xi32, #tpu.memory_space<vmem>>, vector<16xi32>,
    tpu.vector_store_idx %arg13[%get3A_87], %broadcast_in_dim3A_3 {add = true} : memref<10112xf32, #tpu.memory_space<vmem>>[vector<16xi32>], vector<16xf32>,
    %get3A_88 = arith.constant 80 : index
    %get3A_89 = tpu.vector_load %arg8[%get3A_88] {strides = array<i32>} : memref<128xi32, #tpu.memory_space<vmem>>, vector<16xi32>,
    tpu.vector_store_idx %arg13[%get3A_89], %broadcast_in_dim3A_3 {add = true} : memref<10112xf32, #tpu.memory_space<vmem>>[vector<16xi32>], vector<16xf32>,
    %get3A_90 = arith.constant 96 : index
    %get3A_91 = tpu.vector_load %arg8[%get3A_90] {strides = array<i32>} : memref<128xi32, #tpu.memory_space<vmem>>, vector<16xi32>,
    tpu.vector_store_idx %arg13[%get3A_91], %broadcast_in_dim3A_3 {add = true} : memref<10112xf32, #tpu.memory_space<vmem>>[vector<16xi32>], vector<16xf32>,
    %get3A_92 = arith.constant 112 : index
    %get3A_93 = tpu.vector_load %arg8[%get3A_92] {strides = array<i32>} : memref<128xi32, #tpu.memory_space<vmem>>, vector<16xi32>,
    tpu.vector_store_idx %arg13[%get3A_93], %broadcast_in_dim3A_3 {add = true} : memref<10112xf32, #tpu.memory_space<vmem>>[vector<16xi32>], vector<16xf32>,
    %barrier3A_94 = arith.constant 0 : index
    tpu.barrier barrier_id(%barrier3A_94)
    "tpu.region"() ({
      %run_scoped3A = tpu.sem_alloc : memref<!tpu.dma_semaphore, #tpu.memory_space<semaphore_mem>>
      %dma_start3A_95 = arith.constant 0 : i32
      %dma_start3A_96 = tpu.memref_slice %arg5[%arg0, %mul3A_18, %dma_start3A_95] : memref<2x10112x128xf32, #tpu.memory_space<hbm>> -> memref<1x632x128xf32, #tpu.memory_space<hbm>>
      %dma_start3A_97 = tpu.memref_squeeze %dma_start3A_96 : memref<1x632x128xf32, #tpu.memory_space<hbm>> -> memref<632x128xf32, #tpu.memory_space<hbm>>
      %dma_start3A_98 = arith.constant 0 : i32
      %dma_start3A_99 = tpu.memref_slice %arg14[%mul3A_18, %dma_start3A_98] : memref<10112x128xf32, #tpu.memory_space<vmem_shared>> -> memref<632x128xf32, #tpu.memory_space<vmem_shared>>
      tpu.enqueue_dma source(%dma_start3A_99 : memref<632x128xf32, #tpu.memory_space<vmem_shared>>) target(%dma_start3A_97 : memref<632x128xf32, #tpu.memory_space<hbm>>) target_semaphore(%run_scoped3A : memref<!tpu.dma_semaphore, #tpu.memory_space<semaphore_mem>>)
      %dma_wait3A_100 = arith.constant 0 : i32
      %dma_wait3A_101 = tpu.memref_slice %arg5[%arg0, %mul3A_18, %dma_wait3A_100] : memref<2x10112x128xf32, #tpu.memory_space<hbm>> -> memref<1x632x128xf32, #tpu.memory_space<hbm>>
      %dma_wait3A_102 = tpu.memref_squeeze %dma_wait3A_101 : memref<1x632x128xf32, #tpu.memory_space<hbm>> -> memref<632x128xf32, #tpu.memory_space<hbm>>
      %dma_wait3A_103 = arith.constant 0 : i32
      %dma_wait3A_104 = tpu.memref_slice %arg14[%mul3A_18, %dma_wait3A_103] : memref<10112x128xf32, #tpu.memory_space<vmem_shared>> -> memref<632x128xf32, #tpu.memory_space<vmem_shared>>
      tpu.wait_dma2 semaphore(%run_scoped3A : memref<!tpu.dma_semaphore, #tpu.memory_space<semaphore_mem>>) src(%dma_wait3A_104 : memref<632x128xf32, #tpu.memory_space<vmem_shared>>) dst(%dma_wait3A_102 : memref<632x128xf32, #tpu.memory_space<hbm>>)
      tpu.yield
    }) : () -> ()
    "tpu.region"() ({
      %run_scoped3A = tpu.sem_alloc : memref<!tpu.dma_semaphore, #tpu.memory_space<semaphore_mem>>
      %dma_start3A_95 = arith.constant 0 : i32
      %dma_start3A_96 = tpu.memref_slice %arg6[%add3A, %dma_start3A_95] : memref<32x10112xf32, #tpu.memory_space<hbm>> -> memref<1x10112xf32, #tpu.memory_space<hbm>>
      %dma_start3A_97 = tpu.memref_squeeze %dma_start3A_96 : memref<1x10112xf32, #tpu.memory_space<hbm>> -> memref<10112xf32, #tpu.memory_space<hbm>>
      %dma_start3A_98 = arith.constant 0 : i32
      %dma_start3A_99 = tpu.memref_slice %arg6[%add3A, %dma_start3A_98] : memref<32x10112xf32, #tpu.memory_space<hbm>> -> memref<1x10112xf32, #tpu.memory_space<hbm>>
      %dma_start3A_100 = tpu.memref_squeeze %dma_start3A_99 : memref<1x10112xf32, #tpu.memory_space<hbm>> -> memref<10112xf32, #tpu.memory_space<hbm>>
      tpu.enqueue_dma source(%arg13 : memref<10112xf32, #tpu.memory_space<vmem>>) target(%dma_start3A_100 : memref<10112xf32, #tpu.memory_space<hbm>>) target_semaphore(%run_scoped3A : memref<!tpu.dma_semaphore, #tpu.memory_space<semaphore_mem>>)
      %dma_wait3A_101 = arith.constant 0 : i32
      %dma_wait3A_102 = tpu.memref_slice %arg6[%add3A, %dma_wait3A_101] : memref<32x10112xf32, #tpu.memory_space<hbm>> -> memref<1x10112xf32, #tpu.memory_space<hbm>>
      %dma_wait3A_103 = tpu.memref_squeeze %dma_wait3A_102 : memref<1x10112xf32, #tpu.memory_space<hbm>> -> memref<10112xf32, #tpu.memory_space<hbm>>
      %dma_wait3A_104 = arith.constant 0 : i32
      %dma_wait3A_105 = tpu.memref_slice %arg6[%add3A, %dma_wait3A_104] : memref<32x10112xf32, #tpu.memory_space<hbm>> -> memref<1x10112xf32, #tpu.memory_space<hbm>>
      %dma_wait3A_106 = tpu.memref_squeeze %dma_wait3A_105 : memref<1x10112xf32, #tpu.memory_space<hbm>> -> memref<10112xf32, #tpu.memory_space<hbm>>
      tpu.wait_dma2 semaphore(%run_scoped3A : memref<!tpu.dma_semaphore, #tpu.memory_space<semaphore_mem>>) src(%arg13 : memref<10112xf32, #tpu.memory_space<vmem>>) dst(%dma_wait3A_106 : memref<10112xf32, #tpu.memory_space<hbm>>)
      tpu.yield
    }) : () -> ()
    return
  }
}

module attributes {stable_mosaic.version = 14 : i64} {
  func.func @body(%arg0: i32, %arg1: memref<400x128xf32, #tpu.memory_space<vmem>>, %arg2: memref<400x128xf32, #tpu.memory_space<vmem>>, %arg3: memref<400x128xf32, #tpu.memory_space<vmem>>, %arg4: memref<400x32xf32, #tpu.memory_space<vmem>>, %arg5: memref<128x128xf32, #tpu.memory_space<vmem>>, %arg6: memref<128x128xf32, #tpu.memory_space<vmem>>, %arg7: memref<1x128xf32, #tpu.memory_space<vmem>>, %arg8: memref<400x128xf32, #tpu.memory_space<vmem>>) attributes {dimension_semantics = [#tpu.dimension_semantics<arbitrary>], iteration_bounds = array<i64: 25>, scalar_prefetch = 0 : i64, scratch_operands = 0 : i64, tpu.core_type = #tpu.core_type<tc>, window_params = [{transform_indices = @transform_0, window_bounds = array<i64: 400, 128>}, {transform_indices = @transform_1, window_bounds = array<i64: 400, 128>}, {transform_indices = @transform_2, window_bounds = array<i64: 400, 128>}, {transform_indices = @transform_3, window_bounds = array<i64: 400, 32>}, {pipeline_mode = #tpu.pipeline_mode<synchronous>, transform_indices = @transform_4, window_bounds = array<i64: 128, 128>}, {pipeline_mode = #tpu.pipeline_mode<synchronous>, transform_indices = @transform_5, window_bounds = array<i64: 128, 128>}, {pipeline_mode = #tpu.pipeline_mode<synchronous>, transform_indices = @transform_6, window_bounds = array<i64: 1, 128>}, {transform_indices = @transform_7, window_bounds = array<i64: 400, 128>}]} {
    %get3A = arith.constant 0 : index
    %get3A_0 = arith.constant 0 : index
    %get3A_1 = vector.load %arg2[%get3A, %get3A_0] : memref<400x128xf32, #tpu.memory_space<vmem>>, vector<400x128xf32>
    %get3A_2 = arith.constant 0 : index
    %get3A_3 = arith.constant 0 : index
    %get3A_4 = vector.load %arg3[%get3A_2, %get3A_3] : memref<400x128xf32, #tpu.memory_space<vmem>>, vector<400x128xf32>
    %add3A = arith.addf %get3A_1, %get3A_4 : vector<400x128xf32>
    %get3A_5 = arith.constant 0 : index
    %get3A_6 = arith.constant 0 : index
    %get3A_7 = vector.load %arg4[%get3A_5, %get3A_6] : memref<400x32xf32, #tpu.memory_space<vmem>>, vector<400x32xf32>
    %reduce_sum3A = arith.constant dense<0.000000e+00> : vector<400xf32>
    %reduce_sum3A_8 = vector.multi_reduction <add>, %get3A_7, %reduce_sum3A [1] : vector<400x32xf32> to vector<400xf32>
    %broadcast_in_dim3A = vector.shape_cast %reduce_sum3A_8 : vector<400xf32> to vector<400x1xf32>
    %get3A_9 = arith.constant 0 : index
    %get3A_10 = arith.constant 0 : index
    %get3A_11 = vector.load %arg1[%get3A_9, %get3A_10] : memref<400x128xf32, #tpu.memory_space<vmem>>, vector<400x128xf32>
    %get3A_12 = arith.constant 0 : index
    %get3A_13 = arith.constant 0 : index
    %get3A_14 = vector.load %arg5[%get3A_12, %get3A_13] : memref<128x128xf32, #tpu.memory_space<vmem>>, vector<128x128xf32>
    %dot_general3A = arith.constant dense<0.000000e+00> : vector<400x128xf32>
    %dot_general3A_15 = tpu.matmul %get3A_11, %get3A_14, %dot_general3A {dimension_numbers = #tpu.dot_dimension_numbers<[1], [0], [0], [1], [0, 0, 1, 1], [], []>, transpose_lhs_hint = false} : vector<400x128xf32>, vector<128x128xf32>, vector<400x128xf32> -> vector<400x128xf32>
    %get3A_16 = arith.constant 0 : index
    %get3A_17 = arith.constant 0 : index
    %get3A_18 = vector.load %arg6[%get3A_16, %get3A_17] : memref<128x128xf32, #tpu.memory_space<vmem>>, vector<128x128xf32>
    %dot_general3A_19 = arith.constant dense<0.000000e+00> : vector<400x128xf32>
    %dot_general3A_20 = tpu.matmul %add3A, %get3A_18, %dot_general3A_19 {dimension_numbers = #tpu.dot_dimension_numbers<[1], [0], [0], [1], [0, 0, 1, 1], [], []>, transpose_lhs_hint = false} : vector<400x128xf32>, vector<128x128xf32>, vector<400x128xf32> -> vector<400x128xf32>
    %max3A = arith.constant 1.000000e+00 : f32
    %max3A_21 = vector.broadcast %max3A : f32 to vector<400x1xf32>
    %max3A_22 = arith.maximumf %broadcast_in_dim3A, %max3A_21 : vector<400x1xf32>
    %gt3A = arith.constant 0.000000e+00 : f32
    %gt3A_23 = vector.broadcast %gt3A : f32 to vector<400x1xf32>
    %gt3A_24 = arith.cmpf ogt, %broadcast_in_dim3A, %gt3A_23 : vector<400x1xf32>
    %div3A = vector.broadcast %max3A_22 : vector<400x1xf32> to vector<400x128xf32>
    %div3A_25 = arith.divf %dot_general3A_20, %div3A : vector<400x128xf32>
    %add3A_26 = arith.addf %dot_general3A_15, %div3A_25 : vector<400x128xf32>
    %get3A_27 = arith.constant 0 : index
    %get3A_28 = arith.constant 0 : index
    %get3A_29 = vector.load %arg7[%get3A_27, %get3A_28] : memref<1x128xf32, #tpu.memory_space<vmem>>, vector<1x128xf32>
    %add3A_30 = vector.broadcast %get3A_29 : vector<1x128xf32> to vector<400x128xf32>
    %add3A_31 = arith.addf %add3A_26, %add3A_30 : vector<400x128xf32>
    %jit3A = arith.constant 0.000000e+00 : f32
    %broadcast_in_dim3A_32 = vector.shape_cast %gt3A_24 : vector<400x1xi1> to vector<400x1xi1>
    %broadcast_in_dim3A_33 = vector.broadcast %broadcast_in_dim3A_32 : vector<400x1xi1> to vector<400x128xi1>
    %broadcast_in_dim3A_34 = vector.broadcast %jit3A : f32 to vector<400x128xf32>
    %select_n3A = arith.select %broadcast_in_dim3A_33, %add3A_31, %broadcast_in_dim3A_34 : vector<400x128xi1>, vector<400x128xf32>
    %swap3A = arith.constant 0 : index
    %swap3A_35 = arith.constant 0 : index
    %swap3A_36 = vector.load %arg8[%swap3A, %swap3A_35] : memref<400x128xf32, #tpu.memory_space<vmem>>, vector<400x128xf32>
    tpu.vector_store %arg8[%swap3A, %swap3A_35], %select_n3A {strides = array<i32>} : memref<400x128xf32, #tpu.memory_space<vmem>>, vector<400x128xf32>,
    return
  }
  func.func @transform_0(%arg0: i32) -> (i32, i32) {
    %c0_i32 = arith.constant 0 : i32
    %c0_i32_0 = arith.constant 0 : i32
    return %arg0, %c0_i32 : i32, i32
  }
  func.func @transform_1(%arg0: i32) -> (i32, i32) {
    %c0_i32 = arith.constant 0 : i32
    %c0_i32_0 = arith.constant 0 : i32
    return %arg0, %c0_i32 : i32, i32
  }
  func.func @transform_2(%arg0: i32) -> (i32, i32) {
    %c0_i32 = arith.constant 0 : i32
    %c0_i32_0 = arith.constant 0 : i32
    return %arg0, %c0_i32 : i32, i32
  }
  func.func @transform_3(%arg0: i32) -> (i32, i32) {
    %c0_i32 = arith.constant 0 : i32
    %c0_i32_0 = arith.constant 0 : i32
    return %arg0, %c0_i32 : i32, i32
  }
  func.func @transform_4(%arg0: i32) -> (i32, i32) {
    %c0_i32 = arith.constant 0 : i32
    %c0_i32_0 = arith.constant 0 : i32
    %c0_i32_1 = arith.constant 0 : i32
    return %c0_i32, %c0_i32_0 : i32, i32
  }
  func.func @transform_5(%arg0: i32) -> (i32, i32) {
    %c0_i32 = arith.constant 0 : i32
    %c0_i32_0 = arith.constant 0 : i32
    %c0_i32_1 = arith.constant 0 : i32
    return %c0_i32, %c0_i32_0 : i32, i32
  }
  func.func @transform_6(%arg0: i32) -> (i32, i32) {
    %c0_i32 = arith.constant 0 : i32
    %c0_i32_0 = arith.constant 0 : i32
    %c0_i32_1 = arith.constant 0 : i32
    return %c0_i32, %c0_i32_0 : i32, i32
  }
  func.func @transform_7(%arg0: i32) -> (i32, i32) {
    %c0_i32 = arith.constant 0 : i32
    %c0_i32_0 = arith.constant 0 : i32
    return %arg0, %c0_i32 : i32, i32
  }
}

</mosaic_0001>

<sc_bundles>
// kernel: kernel.4.cloned.1.call-start
scs
__scs_entry_jumppad:
0x0: {  	(pc) =	sbr.rel $0x88, $3  }
0x1: {  	(tag) =	ssettag $0x0;
	lr =	simm.s32 $0x1  }
0x2: {  	[smem:$0x3F9D] =	sst lr;
	_ =	strace $0xD0000000  }
0x3: {  	_ = 	snop  }
0x4: {  	_ = 	snop  }
0x5: {  	_ = 	snop  }
0x6: {  	_ = 	snop  }
0x7: {  	_ = 	snop  }
__scs_overlays_trampoline_lowered:
0x8: {  	[smem:$0x3FAC] =	sst s0  }
0x9: {  	[smem:$0x3FAD] =	sst s1  }
0xa: {  	[smem:$0x3FAE] =	sst s2  }
0xb: {  	[smem:$0x3FAF] =	sst s3  }
0xc: {  	[smem:$0x3FB0] =	sst s4  }
0xd: {  	[smem:$0x3FB1] =	sst s5  }
0xe: {  	[smem:$0x3FB2] =	sst s6  }
0xf: {  	[smem:$0x3FB3] =	sst s7  }
0x10: {  	[smem:$0x3FB4] =	sst s8  }
0x11: {  	[smem:$0x3FB5] =	sst s9;
	s0 =	simm.s32 @!p0 $0x0  }
0x12: {  	s1 =	sld [smem:$0x3F9B];
	s0 =	simm.s32 @p0 $0x1  }
0x13: {  	[smem:$0x3FB6] =	sst s0;
	s0 =	simm.s32 @!p1 $0x0  }
0x14: {  	s2 =	sld [smem:$0x3F9A];
	s0 =	simm.s32 @p1 $0x1  }
0x15: {  	[smem:$0x3FB7] =	sst s0;
	s0 =	simm.s32 @!p2 $0x0  }
0x16: {  	s3 =	sld [smem:$0x3FDB];
	s0 =	simm.s32 @p2 $0x1  }
0x17: {  	s4 =	simm.s32 $0x1BF5;
	[smem:$0x3FB9] =	sst s0  }
0x18: {  	s0 =	sld [smem:$0x3F9C];
	_ =	swait.ge [sflag:s4], $0x0  }
0x19: {  	s7 =	sld [smem:$0x3F9D]  }
0x1a: {  	s8 =	sadd.s32 $0xFFFFE003, lr  }
0x1b: {  	s9 =	sadd.s32 $0xFFFFFEF7, lr;
	s5 =	simm.s32 $0xFFFFFFFF;
	p2 =	slt.u32 s8, $0xFFFFF086  }
0x1c: {  	p1 =	slt.u32 s9, $0xF7A;
	s5 =	simm.s32 @!p2 $0x0  }
0x1d: {  	s5 =	simm.s32 @p1 $0x1;
	p0 =	seq.s32 s7, s2  }
0x1e: {  	s7 =	smul.u32 @!p0 $0xF7A, s2;
	p2 =	seq.s32 @!p0 s5, $0x0  }
0x1f: {  	s9 =	smul.u32 $0xF7A, s1;
	s8 =	simm.s32 @!p0 $0x1BF5;
	p2 =	por !p2, p0  }
0x20: {  	[sflag:s8] =	ssyncset.s32 @!p0 $0xFFFFF086;
	s6 =	sadd.s32 @!p0 s3, s7;
	s7 =	simm.s32 @!p0 $0x108  }
0x21: {  	s3 =	sadd.s32 s3, s9;
	s6 =	sadd.s32 @!p0 $0x88, s6;
	s7 =	simm.s32 @p2 $0x1082  }
0x22: {  	[simem:s7], [sflag:s8] =	dma.local @!p0 [hbm:s6], $0xF7A  }
0x23: {  	s9 =	sor.u32 $0xD0000000, s2;
	s6 =	simm.s32 $0x108;
	_ =	swait.ge @!p0 [sflag:s8], $0x0  }
0x24: {  	s3 =	sadd.s32 $0x88, s3;
	s6 =	simm.s32 @!p1 $0x1082;
	[sflag:s4] =	ssyncset.s32 $0xFFFFF086  }
0x25: {  	[simem:s6], [sflag:s4] =	dma.local [hbm:s3], $0xF7A  }
0x26: {  	[smem:$0x3F9D] =	sst s1;
	(tag) =	ssettag s2;
	_ =	strace s9  }
0x27: {  	s1 =	sld [smem:$0x3FAD]  }
0x28: {  	s2 =	sld [smem:$0x3FAE]  }
0x29: {  	s4 =	sld [smem:$0x3FB0]  }
0x2a: {  	p0 =	seq.s32 s5, $0x0;
	s5 =	sld [smem:$0x3FB1]  }
0x2b: {  	s6 =	sld [smem:$0x3FB2]  }
0x2c: {  	s7 =	sld [smem:$0x3FB3]  }
0x2d: {  	s3 =	simm.s32 $0x108;
	s8 =	sld [smem:$0x3FB4]  }
0x2e: {  	s3 =	simm.s32 @!p0 $0x1082;
	s9 =	sld [smem:$0x3FB5]  }
0x2f: {  	lr =	sadd.s32 s0, s3;
	s0 =	sld [smem:$0x3FAC]  }
0x30: {  	s3 =	sld [smem:$0x3FAF]  }
0x31: {  	[smem:$0x3FB8] =	sst s10  }
0x32: {  	s10 =	sld [smem:$0x3FB6];
	_ =	sdelay $0x3  }
0x33: {  	p0 =	seq.s32 s10, $0x1;
	s10 =	sld [smem:$0x3FB8];
	_ =	sdelay $0x3  }
0x34: {  	[smem:$0x3FB8] =	sst s10  }
0x35: {  	s10 =	sld [smem:$0x3FB7];
	_ =	sdelay $0x3  }
0x36: {  	p1 =	seq.s32 s10, $0x1;
	s10 =	sld [smem:$0x3FB8];
	_ =	sdelay $0x3  }
0x37: {  	[smem:$0x3FB8] =	sst s10  }
0x38: {  	s10 =	sld [smem:$0x3FB9]  }
0x39: {  	_ = 	snop;
	(pc) =	sbr.ind lr, $3  }
0x3a: {  	_ = 	snop  }
0x3b: {  	_ = 	snop  }
0x3c: {  	p2 =	seq.s32 s10, $0x1;
	s10 =	sld [smem:$0x3FB8]  }
0x3d: {  	_ =	shalt  }
0x3e: {  	_ =	shalt  }
0x3f: {  	_ =	shalt  }
0x40: {  	_ =	shalt  }
0x41: {  	_ =	shalt  }
0x42: {  	_ =	shalt  }
0x43: {  	_ =	shalt  }
0x44: {  	_ =	shalt  }
0x45: {  	_ =	shalt  }
0x46: {  	_ =	shalt  }
0x47: {  	_ =	shalt  }
0x48: {  	_ =	shalt  }
0x49: {  	_ =	shalt  }
0x4a: {  	_ =	shalt  }
0x4b: {  	_ =	shalt  }
0x4c: {  	_ =	shalt  }
0x4d: {  	_ =	shalt  }
0x4e: {  	_ =	shalt  }
0x4f: {  	_ =	shalt  }
0x50: {  	_ =	shalt  }
0x51: {  	_ =	shalt  }
0x52: {  	_ =	shalt  }
0x53: {  	_ =	shalt  }
0x54: {  	_ =	shalt  }
0x55: {  	_ =	shalt  }
0x56: {  	_ =	shalt  }
0x57: {  	_ =	shalt  }
0x58: {  	_ =	shalt  }
0x59: {  	_ =	shalt  }
0x5a: {  	_ =	shalt  }
0x5b: {  	_ =	shalt  }
0x5c: {  	_ =	shalt  }
0x5d: {  	_ =	shalt  }
0x5e: {  	_ =	shalt  }
0x5f: {  	_ =	shalt  }
0x60: {  	_ =	shalt  }
0x61: {  	_ =	shalt  }
0x62: {  	_ =	shalt  }
0x63: {  	_ =	shalt  }
0x64: {  	_ =	shalt  }
0x65: {  	_ =	shalt  }
0x66: {  	_ =	shalt  }
0x67: {  	_ =	shalt  }
0x68: {  	_ =	shalt  }
0x69: {  	_ =	shalt  }
0x6a: {  	_ =	shalt  }
0x6b: {  	_ =	shalt  }
0x6c: {  	_ =	shalt  }
0x6d: {  	_ =	shalt  }
0x6e: {  	_ =	shalt  }
0x6f: {  	_ =	shalt  }
0x70: {  	_ =	shalt  }
0x71: {  	_ =	shalt  }
0x72: {  	_ =	shalt  }
0x73: {  	_ =	shalt  }
0x74: {  	_ =	shalt  }
0x75: {  	_ =	shalt  }
0x76: {  	_ =	shalt  }
0x77: {  	_ =	shalt  }
0x78: {  	_ =	shalt  }
0x79: {  	_ =	shalt  }
0x7a: {  	_ =	shalt  }
0x7b: {  	_ =	shalt  }
0x7c: {  	_ =	shalt  }
0x7d: {  	_ =	shalt  }
0x7e: {  	_ =	shalt  }
0x7f: {  	_ =	shalt  }
0x80: {  	_ =	shalt  }
0x81: {  	_ =	shalt  }
0x82: {  	_ =	shalt  }
0x83: {  	_ =	shalt  }
0x84: {  	_ =	shalt  }
0x85: {  	_ =	shalt  }
0x86: {  	_ =	shalt  }
0x87: {  	_ =	shalt  }
.Lfunc_end0:
.L_simem_size_0:
called_computation_lowered:
.L_overlay_start_0:
0x88: {  	s2 =	sld [smem:$0x3FD9]  }
0x89: {  	s3 =	sld [smem:$0x3FFE];
	_ =	sdelay $0x1  }
0x8a: {  	s1 =	srdreg.scid  }
0x8b: {  	s0 =	sand.u32 $0x1, s1  }
0x8c: {  	s17 =	sshll.u32 s0, $0xA;
	s2 =	sadd.s32 s3, s2  }
0x8d: {  	s2 =	sadd.s32 s2, s17  }
0x8e: {  	[smem:$0x3FC4] =	sst s2  }
0x8f: {  	_ = 	snop  }
0x90: {  	s2 =	sld [smem:$0x3FC9]  }
0x91: {  	s18 =	sld [smem:$0x3FD0];
	(tm) =	ssettm $0x1  }
0x92: {  	s4 =	sld [smem:$0x3FFB];
	_ =	sdelay $0x3  }
0x93: {  	_ =	strace s4  }
0x94: {  	s4 =	sld [smem:$0x3FFC];
	_ =	sdelay $0x3  }
0x95: {  	_ =	strace s4  }
0x96: {  	s4 =	sld [smem:$0x3FFD];
	_ =	sdelay $0x3  }
0x97: {  	_ =	strace s4  }
0x98: {  	_ =	strace $0x8FFFFFFF  }
0x99: {  	s19 =	sld [smem:$0x3FDB];
	_ =	sdelay $0x1  }
0x9a: {  	s5 =	simm.s32 $_scs_section_size  }
0x9b: {  	s6 =	simm.s32 $_size__tile_overlayer_lowered;
	s7 =	simm.s32 $_tile_overlayer_lowered  }
0x9c: {  	s22 =	simm.s32 $0x1BFF;
	s21 =	sshll.u32 s7, $0x1;
	s4 =	sadd.s32 s5, s19  }
0x9d: {  	s8 =	simm.s32 $0x0;
	s20 =	sshll.u32 s6, $0x1;
	s6 =	sadd.s32 s21, s4  }
0x9e: {  	[timem:s8], [sflag:s22] =	dma.local [hbm:s6], s20  }
0x9f: {  	_ =	swait.ge [sflag:s22], s20  }
0xa0: {  	s5 =	ssub.s32 $0x0, s20;
	[sflag:s22] =	ssyncset.done $0x0  }
0xa1: {  	[sflag:s22] =	ssyncadd.s32 s5;
	_ =	sdelay $0x1  }
0xa2: {  	s23 =	simm.s32 $0x1B8B  }
0xa3: {  	_ =	swait.ge [sflag:s23], $0x1  }
0xa4: {  	[sflag:s23] =	ssyncset.done $0x0  }
0xa5: {  	s25 =	simm.s32 $0x1B8E;
	s24 =	sld [smem:$0x3FFE];
	[sflag:s23] =	ssyncadd.s32 $0xFFFFFFFF  }
0xa6: {  	s26 =	simm.s32 $execute0_lowered;
	[smem:$0x3FD2] =	sst s25  }
0xa7: {  	s6 =	sshll.u32 s26, $0x1;
	_ =	strace $0x80000046;
	[dreg:$0x1] =	wrdreg $0xFFFFFFFF  }
0xa8: {  	s28 =	simm.s32 $_size_execute0_lowered;
	s4 =	sadd.s32 s4, s6;
	[dreg:$0x0] =	wrdreg $0x0  }
0xa9: {  	s6 =	sshll.u32 s28, $0x1;
	[dreg:$0x2] =	wrdreg s4  }
0xaa: {  	[dreg:$0x3] =	wrdreg s6  }
0xab: {  	[dreg:$0x4] =	wrdreg $0xC0  }
0xac: {  	_ =	task [dreg:s8], $0x5FFFF  }
0xad: {  	[dreg:$0x1] =	wrdreg $0xFFFFFFFF  }
0xae: {  	[dreg:$0x0] =	wrdreg $0x60  }
0xaf: {  	[dreg:$0x2] =	wrdreg s2  }
0xb0: {  	[dreg:$0x3] =	wrdreg s24  }
0xb1: {  	[dreg:$0x4] =	wrdreg s18  }
0xb2: {  	[dreg:$0x5] =	wrdreg $0xA9800  }
0xb3: {  	[dreg:$0x6] =	wrdreg $0x9  }
0xb4: {  	_ =	task.clear_ibuf [dreg:s8], $0x7FFFF;
	_ =	strace $0x90000046  }
0xb5: {  	s29 =	simm.s32 $0x9;
	_ =	strace $0x80000048  }
0xb6: {  	_ =	swait.ge [sflag:s29], $0x1  }
0xb7: {  	[sflag:s29] =	ssyncadd.s32 $0xFFFFFFFF  }
0xb8: {  	_ =	strace $0x90000048  }
0xb9: {  	_ =	sfence  }
0xba: {  	s30 =	sld [smem:$0x0];
	_ =	sdelay $0x2  }
0xbb: {  	s31 =	sshll.u32 s1, $0xD;
	s1 =	sshrl.u32 s1, $0x2  }
0xbc: {  	s3 =	sand.u32 $0x4000, s31;
	s1 =	sadd.s32 s1, s30  }
0xbd: {  	s0 =	sor.u32 s3, s0;
	s1 =	sshll.u32 s1, $0x11  }
0xbe: {  	s0 =	sor.u32 s1, s0  }
0xbf: {  	s0 =	sadd.s32 $0x8F2B, s0  }
0xc0: {  	[sflag:s0] =	ssyncadd.remote.s32 $0x1  }
0xc1: {  	_ =	sfence.sel $0xFFFF  }
0xc2: {  	[dreg:$0x0] =	wrdreg $0xFFFFFFFF;
	(pc) =	sbr.abs _section_cstart, $3  }
0xc3: {  	[dreg:$0x1] =	wrdreg $0xFFFFFFFF  }
0xc4: {  	_ =	task.clear_ibuf [dreg:s8], $0x2FFFF;
	_ =	strace $0x9FFFFFFF  }
0xc5: {  	(tm) =	ssettm $0x7FFFFFFF  }
tec
execute0_lowered:
.L_overlay_start_1:
0x0: {  	(tag) =	ssettag $0x1  }
0x1: {  	s1 =	rddreg [dreg:$0x0]  }
0x2: {  	s0 =	rddreg [dreg:$0x1]  }
0x3: {  	s3 =	rddreg [dreg:$0x2]  }
0x4: {  	s2 =	rddreg [dreg:$0x3]  }
0x5: {  	s4 =	srdreg.scid;
	s18 =	stileid.u32  }
0x6: {  	s28 =	simm.s32 $0x4200;
	s29 =	simm.s32 $0x8200;
	s6 =	smul.u32 $0x13C00, s18  }
0x7: {  	s31 =	simm.s32 $0x0;
	s15 =	sand.u32 $0x1, s4;
	s21 =	smul.u32 $0x4F000, s18  }
0x8: {  	s7 =	sshll.u32 s18, $0x1;
	s19 =	sshrl.u32 s18, $0x2;
	s18 =	smul.u32 $0x9E0, s18  }
0x9: {  	s4 =	simm.s32 $0x0;
	s16 =	sadd.s32 $0x1400, s0;
	s5 =	smul.u32 $0x13C000, s15  }
0xa: {  	[smem:$0x7FF] =	sst s4;
	s17 =	sor.u32 s15, s7;
	s7 =	smul.u32 $0x13C00, s19  }
0xb: {  	s22 =	ssub.s32 $0x2, s15;
	s19 =	smul.u32 $0x4F0, s15;
	_ =	strace $0x80000047  }
0xc: {  	s8 =	sshll.u32 s17, $0x7;
	s9 =	smul.u32 $0x2780, s17;
	s10 =	sshrl.u32 s22, $0x1  }
0xd: {  	s23 =	sshrl.u32 s21, $0x2;
	s30 =	sadd.s32 s18, s16;
	s21 =	simm.s32 $0x80  }
0xe: {  	s5 =	sadd.s32 s6, s5;
	s20 =	sand.u32 $0x380, s8;
	s6 =	smul.u32 $0x380, s17  }
0xf: {  	s17 =	ssub.s32 s22, s10;
	s22 =	simm.s32 $0x100;
	s5 =	sshrl.u32 s5, $0x3  }
0x10: {  	s24 =	sand.u32 $0x7FC00, s9;
	s12 =	sshrl.u32 s9, $0x3;
	s14 =	sadd.s32 s5, s0  }
0x11: {  	s5 =	sor.u32 s7, s20;
	s25 =	sand.u32 $0x380, s6;
	s13 =	sadd.s32 $0x10, s12  }
0x12: {  	s20 =	simm.s32 $0x4;
	s5 =	sshrl.u32 s5, $0x3;
	s10 =	sor.u32 s25, s24  }
0x13: {  	s12 =	sadd.s32 s16, s13;
	s13 =	sadd.s32 s3, s13;
	s14 =	sadd.s32 $0xB200, s14  }
0x14: {  	s24 =	simm.s32 $0x2;
	s25 =	simm.s32 $0x1;
	s0 =	sadd.s32 s5, s0  }
0x15: {  	s5 =	sadd.s32 s23, s2;
	s11 =	sshrl.u32 s10, $0x3;
	s23 =	simm.s32 $0x180  }
.Ltmp0:
0x16: {  	s26 =	sadd.s32 $0x4000, s5;
	s7 =	sadd.s32 $0x8000, s5;
	(pc) =	sbr.rel .LBB2_1-.Ltmp0, $4  }
0x17: {  	s8 =	sadd.s32 $0xC000, s5;
	s9 =	sadd.s32 $0x10000, s5;
	s10 =	sadd.s32 s16, s11  }
0x18: {  	s11 =	sadd.s32 s3, s11;
	s15 =	sadd.s32 $0x5A200, s0;
	s3 =	sadd.s32 s18, s3  }
0x19: {  	s16 =	smax.u32 s17, $0x1;
	s17 =	sadd.s32 s19, s30;
	[dreg:$0x5] =	wrdreg s26  }
0x1a: {  	v0 =	vimm.f32 $0.0e+00;
	v1 =	vimm.f32 $1.000000000e+00;
	s18 =	sadd.s32 s19, s3;
	s19 =	simm.s32 $0x200;
	s26 =	simm.s32 $0x3  }
.LBB2_8:
0x1b: {  	_ =	swait.ge [sflag:s24], $0x80  }
0x1c: {  	[sflag:s24] =	ssyncset.done $0x0  }
0x1d: {  	[sflag:s24] =	ssyncadd.s32 $0xFFFFFF80  }
0x1e: {  	_ =	swait.ge [sflag:s24], $0x80  }
0x1f: {  	[sflag:s24] =	ssyncset.done $0x0  }
0x20: {  	[sflag:s24] =	ssyncadd.s32 $0xFFFFFF80  }
0x21: {  	[tilespmem:s19], [sflag:$0x1] =	stream.indirect.gather [hbm4b:s1+s21], $0x80, s4, s21, $0xb8;
	[tilespmem:$0x1E580] =	vst v63  }
0x22: {  	_ =	swait.ge [sflag:s25], $0x4000  }
0x23: {  	[sflag:s25] =	ssyncset.done $0x0  }
0x24: {  	[sflag:s25] =	ssyncadd.s32 $0xFFFFC000  }
0x25: {  	[spmem:s2] =	stream.indirect.scatter.add.f32 [tilespmem:s19], [sflag:$0x4], $0x80, s21, s21, $0xb8;
	[tilespmem:$0x1E580] =	vst v63  }
0x26: {  	_ =	swait.ge [sflag:s20], $0x4000  }
0x27: {  	[sflag:s20] =	ssyncset.done $0x0  }
0x28: {  	[sflag:s20] =	ssyncadd.s32 $0xFFFFC000  }
0x29: {  	v2 =	vld [tilespmem:$0x80];
	_ =	sdelay $0x7  }
0x2a: {  	[tilespmem:v2+s29+$0x0] =	vst.idx.add.f32.msk $0xffff, v1  }
0x2b: {  	v2 =	vld [tilespmem:$0x90];
	_ =	sdelay $0x7  }
0x2c: {  	[tilespmem:v2+s29+$0x0] =	vst.idx.add.f32.msk $0xffff, v1  }
0x2d: {  	v2 =	vld [tilespmem:$0xA0];
	_ =	sdelay $0x7  }
0x2e: {  	[tilespmem:v2+s29+$0x0] =	vst.idx.add.f32.msk $0xffff, v1  }
0x2f: {  	v2 =	vld [tilespmem:$0xB0];
	_ =	sdelay $0x7  }
0x30: {  	[tilespmem:v2+s29+$0x0] =	vst.idx.add.f32.msk $0xffff, v1  }
0x31: {  	v2 =	vld [tilespmem:$0xC0];
	_ =	sdelay $0x7  }
0x32: {  	[tilespmem:v2+s29+$0x0] =	vst.idx.add.f32.msk $0xffff, v1  }
0x33: {  	v2 =	vld [tilespmem:$0xD0];
	_ =	sdelay $0x7  }
0x34: {  	[tilespmem:v2+s29+$0x0] =	vst.idx.add.f32.msk $0xffff, v1  }
0x35: {  	v2 =	vld [tilespmem:$0xE0];
	_ =	sdelay $0x7  }
0x36: {  	[tilespmem:v2+s29+$0x0] =	vst.idx.add.f32.msk $0xffff, v1  }
0x37: {  	v2 =	vld [tilespmem:$0xF0];
	_ =	sdelay $0x6  }
0x38: {  	s0 =	stileid.u32  }
0x39: {  	s0 =	sshll.u32 s0, $0x6;
	[tilespmem:v2+s29+$0x0] =	vst.idx.add.f32.msk $0xffff, v1  }
0x3a: {  	s3 =	sshrl.u32 s5, $0x3;
	s0 =	sor.u32 $0x1C04, s0;
	[bflag:$0x0] =	sbarrier.arrive $0xFFFF  }
0x3b: {  	[hbm:s14], [sflag:s0] =	dma.local [spmem:s3], $0x2780  }
0x3c: {  	s31 =	sadd.s32 $0x1, s31;
	_ =	swait.ge [sflag:s20], $0x2780  }
0x3d: {  	p0 =	sne.s32 s31, s16;
	[sflag:s20] =	ssyncset.done $0x0  }
.Ltmp1:
0x3e: {  	s30 =	simm.s32 $0x400;
	[sflag:s20] =	ssyncadd.s32 $0xFFFFD880;
	(pc) =	sbr.rel @!p0 .LBB2_9-.Ltmp1, $4  }
0x3f: {  	[hbm4b:s15+s21] =	stream.strided.scatter [tilespmem:s29], [sflag:$0x4], $0x2780, s30, s21, $0x38;
	[tilespmem:$0x1E580] =	vst v63  }
0x40: {  	_ =	swait.ge [sflag:s20], $0x2780  }
0x41: {  	[sflag:s20] =	ssyncset.done $0x0  }
0x42: {  	[sflag:s20] =	ssyncadd.s32 $0xFFFFD880  }
.LBB2_1:
0x43: {  	s0 =	simm.s32 $0x0  }
.LBB2_2:
0x44: {  	p0 =	sne.s32 s0, $0x9DC0  }
.Ltmp2:
0x45: {  	_ = 	snop;
	(pc) =	sbr.rel @p0 .LBB2_2-.Ltmp2, $3  }
0x46: {  	_ =	sdelay $0x1  }
0x47: {  	s3 =	sshra.s32 s0, $0x2  }
0x48: {  	s0 =	sadd.s32 $0x40, s0;
	[tilespmem:s3+$0x8200] =	vst v0  }
0x49: {  	s0 =	simm.s32 $0x0;
	s3 =	simm.s32 $0x200  }
.LBB2_4:
0x4a: {  	p0 =	sne.s32 s3, $0xFE00;
	[tilespmem:s0+$0x270] =	vst v0  }
0x4b: {  	[tilespmem:s0+$0x200] =	vst v0  }
0x4c: {  	[tilespmem:s0+$0x210] =	vst v0  }
.Ltmp3:
0x4d: {  	[tilespmem:s0+$0x220] =	vst v0;
	(pc) =	sbr.rel @p0 .LBB2_4-.Ltmp3, $4  }
0x4e: {  	[tilespmem:s0+$0x230] =	vst v0  }
0x4f: {  	[tilespmem:s0+$0x240] =	vst v0  }
0x50: {  	[tilespmem:s0+$0x250] =	vst v0  }
0x51: {  	[tilespmem:s0+$0x260] =	vst v0;
	s0 =	sshra.s32 s3, $0x2;
	s3 =	sadd.s32 $0x200, s3  }
0x52: {  	[tilespmem:s0+$0x270] =	vst v0  }
0x53: {  	[tilespmem:s0+$0x200] =	vst v0  }
0x54: {  	[tilespmem:s0+$0x210] =	vst v0  }
0x55: {  	[tilespmem:s0+$0x220] =	vst v0  }
0x56: {  	[tilespmem:s0+$0x230] =	vst v0  }
0x57: {  	[tilespmem:s0+$0x240] =	vst v0  }
0x58: {  	[tilespmem:s0+$0x250] =	vst v0  }
0x59: {  	[tilespmem:s0+$0x260] =	vst v0  }
0x5a: {  	[spmem:s5] =	stream.linear.scatter [tilespmem:s19], [sflag:$0x4], $0x4000, $0x38;
	[tilespmem:$0x1E580] =	vst v63  }
0x5b: {  	_ =	swait.ge [sflag:s20], $0x4000  }
0x5c: {  	[sflag:s20] =	ssyncset.done $0x0  }
0x5d: {  	s30 =	rddreg [dreg:$0x5];
	[sflag:s20] =	ssyncadd.s32 $0xFFFFC000  }
0x5e: {  	[spmem:s30] =	stream.linear.scatter [tilespmem:s19], [sflag:$0x4], $0x4000, $0x38;
	[tilespmem:$0x1E580] =	vst v63  }
0x5f: {  	_ =	swait.ge [sflag:s20], $0x4000  }
0x60: {  	[sflag:s20] =	ssyncset.done $0x0  }
0x61: {  	[sflag:s20] =	ssyncadd.s32 $0xFFFFC000  }
0x62: {  	[spmem:s7] =	stream.linear.scatter [tilespmem:s19], [sflag:$0x4], $0x4000, $0x38;
	[tilespmem:$0x1E580] =	vst v63  }
0x63: {  	_ =	swait.ge [sflag:s20], $0x4000  }
0x64: {  	[sflag:s20] =	ssyncset.done $0x0  }
0x65: {  	[sflag:s20] =	ssyncadd.s32 $0xFFFFC000  }
0x66: {  	[spmem:s8] =	stream.linear.scatter [tilespmem:s19], [sflag:$0x4], $0x4000, $0x38;
	[tilespmem:$0x1E580] =	vst v63  }
0x67: {  	_ =	swait.ge [sflag:s20], $0x4000  }
0x68: {  	[sflag:s20] =	ssyncset.done $0x0  }
0x69: {  	[sflag:s20] =	ssyncadd.s32 $0xFFFFC000  }
0x6a: {  	[spmem:s9] =	stream.linear.scatter [tilespmem:s19], [sflag:$0x4], $0x3C00, $0x38;
	[tilespmem:$0x1E580] =	vst v63  }
0x6b: {  	_ =	swait.ge [sflag:s20], $0x3C00  }
0x6c: {  	[sflag:s20] =	ssyncset.done $0x0  }
0x6d: {  	[sflag:s20] =	ssyncadd.s32 $0xFFFFC400  }
0x6e: {  	s0 =	simm.s32 $0x0;
	[bflag:$0x0] =	sbarrier.arrive $0xFFFF  }
0x6f: {  	[tilespmem:s0], [sflag:$0x2] =	stream.linear.gather [hbm4b:s10+s0], $0x80, $0x38;
	[tilespmem:$0x1E580] =	vst v63  }
0x70: {  	_ = 	snop  }
0x71: {  	[tilespmem:s21], [sflag:$0x2] =	stream.linear.gather [hbm4b:s11+s0], $0x80, $0x38;
	[tilespmem:$0x1E580] =	vst v63  }
0x72: {  	_ = 	snop  }
0x73: {  	[tilespmem:s22], [sflag:$0x3] =	stream.linear.gather [hbm4b:s12+s0], $0x80, $0x38;
	[tilespmem:$0x1E580] =	vst v63  }
0x74: {  	_ = 	snop  }
0x75: {  	[tilespmem:s23], [sflag:$0x3] =	stream.linear.gather [hbm4b:s13+s0], $0x80, $0x38;
	[tilespmem:$0x1E580] =	vst v63  }
.LBB2_6:
0x76: {  	_ =	swait.ge [sflag:s24], $0x80  }
0x77: {  	[sflag:s24] =	ssyncset.done $0x0  }
0x78: {  	[sflag:s24] =	ssyncadd.s32 $0xFFFFFF80  }
0x79: {  	_ =	swait.ge [sflag:s24], $0x80  }
0x7a: {  	[sflag:s24] =	ssyncset.done $0x0  }
0x7b: {  	[sflag:s24] =	ssyncadd.s32 $0xFFFFFF80  }
0x7c: {  	[tilespmem:s19], [sflag:$0x1] =	stream.indirect.gather [hbm4b:s1+s21], $0x80, s4, s21, $0xb8;
	[tilespmem:$0x1E580] =	vst v63  }
0x7d: {  	_ =	swait.ge [sflag:s25], $0x4000  }
0x7e: {  	[sflag:s25] =	ssyncset.done $0x0  }
0x7f: {  	[sflag:s25] =	ssyncadd.s32 $0xFFFFC000  }
0x80: {  	_ =	swait.ge [sflag:s26], $0x80  }
0x81: {  	[sflag:s26] =	ssyncset.done $0x0  }
0x82: {  	[sflag:s26] =	ssyncadd.s32 $0xFFFFFF80  }
0x83: {  	_ =	swait.ge [sflag:s26], $0x80  }
0x84: {  	[sflag:s26] =	ssyncset.done $0x0  }
0x85: {  	[sflag:s26] =	ssyncadd.s32 $0xFFFFFF80  }
0x86: {  	[tilespmem:s28], [sflag:$0x1] =	stream.indirect.gather [hbm4b:s1+s21], $0x80, s22, s21, $0xb8;
	[tilespmem:$0x1E580] =	vst v63  }
0x87: {  	_ = 	snop  }
0x88: {  	[spmem:s2] =	stream.indirect.scatter.add.f32 [tilespmem:s19], [sflag:$0x4], $0x80, s21, s21, $0xb8;
	[tilespmem:$0x1E580] =	vst v63  }
0x89: {  	_ =	swait.ge [sflag:s20], $0x4000  }
0x8a: {  	[sflag:s20] =	ssyncset.done $0x0  }
0x8b: {  	[sflag:s20] =	ssyncadd.s32 $0xFFFFC000  }
0x8c: {  	v2 =	vld [tilespmem:$0x80];
	_ =	sdelay $0x7  }
0x8d: {  	[tilespmem:v2+s29+$0x0] =	vst.idx.add.f32.msk $0xffff, v1  }
0x8e: {  	v2 =	vld [tilespmem:$0x90];
	_ =	sdelay $0x7  }
0x8f: {  	[tilespmem:v2+s29+$0x0] =	vst.idx.add.f32.msk $0xffff, v1  }
0x90: {  	v2 =	vld [tilespmem:$0xA0];
	_ =	sdelay $0x7  }
0x91: {  	[tilespmem:v2+s29+$0x0] =	vst.idx.add.f32.msk $0xffff, v1  }
0x92: {  	v2 =	vld [tilespmem:$0xB0];
	_ =	sdelay $0x7  }
0x93: {  	[tilespmem:v2+s29+$0x0] =	vst.idx.add.f32.msk $0xffff, v1  }
0x94: {  	v2 =	vld [tilespmem:$0xC0];
	_ =	sdelay $0x7  }
0x95: {  	[tilespmem:v2+s29+$0x0] =	vst.idx.add.f32.msk $0xffff, v1  }
0x96: {  	v2 =	vld [tilespmem:$0xD0];
	_ =	sdelay $0x7  }
0x97: {  	[tilespmem:v2+s29+$0x0] =	vst.idx.add.f32.msk $0xffff, v1  }
0x98: {  	v2 =	vld [tilespmem:$0xE0];
	_ =	sdelay $0x7  }
0x99: {  	[tilespmem:v2+s29+$0x0] =	vst.idx.add.f32.msk $0xffff, v1  }
0x9a: {  	v2 =	vld [tilespmem:$0xF0];
	_ =	sdelay $0x6  }
0x9b: {  	s3 =	sadd.s32 s0, s17  }
0x9c: {  	s30 =	sadd.s32 $0x20, s3;
	[tilespmem:v2+s29+$0x0] =	vst.idx.add.f32.msk $0xffff, v1  }
0x9d: {  	[tilespmem:s4], [sflag:$0x2] =	stream.linear.gather [hbm4b:s30+s4], $0x80, $0x38;
	[tilespmem:$0x1E580] =	vst v63  }
0x9e: {  	s30 =	sadd.s32 s0, s18  }
0x9f: {  	s6 =	sadd.s32 $0x20, s30  }
0xa0: {  	[tilespmem:s21], [sflag:$0x2] =	stream.linear.gather [hbm4b:s6+s4], $0x80, $0x38;
	[tilespmem:$0x1E580] =	vst v63  }
0xa1: {  	_ =	swait.ge [sflag:s25], $0x4000  }
0xa2: {  	[sflag:s25] =	ssyncset.done $0x0  }
0xa3: {  	[sflag:s25] =	ssyncadd.s32 $0xFFFFC000  }
0xa4: {  	[spmem:s2] =	stream.indirect.scatter.add.f32 [tilespmem:s28], [sflag:$0x4], $0x80, s23, s21, $0xb8;
	[tilespmem:$0x1E580] =	vst v63  }
0xa5: {  	_ =	swait.ge [sflag:s20], $0x4000  }
0xa6: {  	[sflag:s20] =	ssyncset.done $0x0  }
0xa7: {  	[sflag:s20] =	ssyncadd.s32 $0xFFFFC000  }
0xa8: {  	v2 =	vld [tilespmem:$0x180];
	_ =	sdelay $0x7  }
0xa9: {  	[tilespmem:v2+s29+$0x0] =	vst.idx.add.f32.msk $0xffff, v1  }
0xaa: {  	v2 =	vld [tilespmem:$0x190];
	_ =	sdelay $0x7  }
0xab: {  	[tilespmem:v2+s29+$0x0] =	vst.idx.add.f32.msk $0xffff, v1  }
0xac: {  	v2 =	vld [tilespmem:$0x1A0];
	_ =	sdelay $0x7  }
0xad: {  	[tilespmem:v2+s29+$0x0] =	vst.idx.add.f32.msk $0xffff, v1  }
0xae: {  	v2 =	vld [tilespmem:$0x1B0];
	_ =	sdelay $0x7  }
0xaf: {  	[tilespmem:v2+s29+$0x0] =	vst.idx.add.f32.msk $0xffff, v1  }
0xb0: {  	v2 =	vld [tilespmem:$0x1C0];
	_ =	sdelay $0x7  }
0xb1: {  	[tilespmem:v2+s29+$0x0] =	vst.idx.add.f32.msk $0xffff, v1  }
0xb2: {  	v2 =	vld [tilespmem:$0x1D0];
	_ =	sdelay $0x7  }
0xb3: {  	[tilespmem:v2+s29+$0x0] =	vst.idx.add.f32.msk $0xffff, v1  }
0xb4: {  	v2 =	vld [tilespmem:$0x1E0];
	_ =	sdelay $0x7  }
0xb5: {  	[tilespmem:v2+s29+$0x0] =	vst.idx.add.f32.msk $0xffff, v1  }
0xb6: {  	v2 =	vld [tilespmem:$0x1F0];
	_ =	sdelay $0x2  }
0xb7: {  	p0 =	seq.s32 s0, $0x4C0  }
.Ltmp4:
0xb8: {  	_ = 	snop;
	(pc) =	sbr.rel @p0 .LBB2_8-.Ltmp4, $2  }
0xb9: {  	_ =	sdelay $0x2  }
0xba: {  	[tilespmem:v2+s29+$0x0] =	vst.idx.add.f32.msk $0xffff, v1  }
.Ltmp5:
0xbb: {  	(pc) =	sbr.rel .LBB2_6-.Ltmp5, $4  }
0xbc: {  	s3 =	sadd.s32 $0x30, s3  }
0xbd: {  	[tilespmem:s22], [sflag:$0x3] =	stream.linear.gather [hbm4b:s3+s4], $0x80, $0x38;
	[tilespmem:$0x1E580] =	vst v63  }
0xbe: {  	s30 =	sadd.s32 $0x30, s30;
	s0 =	sadd.s32 $0x20, s0  }
0xbf: {  	[tilespmem:s23], [sflag:$0x3] =	stream.linear.gather [hbm4b:s30+s4], $0x80, $0x38;
	[tilespmem:$0x1E580] =	vst v63  }
.LBB2_9:
0xc0: {  	_ =	sfence.sel $0x180000  }
0xc1: {  	[bflag:$0x0] =	sbarrier.arrive $0xFFFF  }
0xc2: {  	_ =	strace $0x90000047  }
0xc3: {  	s0 =	stileid.u32;
	[bflag:$0x2] =	sbarrier.arrive $0xFFFF  }
0xc4: {  	p0 =	sne.s32 s0, $0x0;
	s0 =	rddreg [dreg:$0x4]  }
0xc5: {  	s0 =	sadd.s32 @!p0 $0x100000, s0  }
0xc6: {  	[sflag:s0] =	ssyncadd.tile.s32 @!p0 $0x1;
	_ =	shalt  }
.Lfunc_end2:
_tile_overlayer_lowered:
.L_overlay_start_2:
0xc7: {  	(tag) =	ssettag $0x2  }
0xc8: {  	s0 =	rddreg [dreg:$0x0];
	s2 =	stileid.u32  }
0xc9: {  	s1 =	rddreg [dreg:$0x1];
	p0 =	sne.s32 s2, $0x0  }
0xca: {  	s3 =	rddreg [dreg:$0x2];
	[bflag:$0x3] =	sbarrier.arrive $0xFFFF;
	s2 =	simm.s32 @!p0 $0x1C04  }
0xcb: {  	[timem:s3], [sflag:s2] =	dma.local @!p0 [hbm:s0], s1  }
0xcc: {  	s0 =	simm.s32 @!p0 $0x4  }
0xcd: {  	_ =	swait.ge @!p0 [sflag:s0], s1  }
0xce: {  	s1 =	ssub.s32 @!p0 $0x0, s1;
	[sflag:s0] =	ssyncset.done @!p0 $0x0  }
0xcf: {  	[sflag:s0] =	ssyncadd.s32 @!p0 s1  }
0xd0: {  	[bflag:$0x3] =	sbarrier.arrive $0xFFFF  }
0xd1: {  	_ =	shalt  }

</sc_bundles>
